<compile_context>
chip_gen: v7x
topology: tpu7x:2x2x1
jax: 0.10.2.dev20260603
libtpu: 0.0.44.dev20260713+nightly
codegen_flags: <defaults>
</compile_context>

<pallas_src>
import numpy as np
import jax
import jax.numpy as jnp
from jax import lax
from jax.experimental import pallas as pl
from jax.experimental.pallas import tpu as pltpu
from jax.experimental.pallas import tpu_sc as plsc

_D = 64
_B = 4096
_L = 200
_ROWS = _B * _L
_NW = 32
_PER_W = _ROWS // _NW
_CHUNK = 200
_NCH = _PER_W // _CHUNK
_IDXW = 100
_IDXROWS = _PER_W // _IDXW
_NBUF = 4


def _pe_table():
    pos = jnp.arange(_L, dtype=jnp.float32)[:, None]
    div = jnp.exp(jnp.arange(0, _D, 2, dtype=jnp.float32) * (-(np.log(10000.0) / _D)))
    angles = pos * div[None, :]
    pe = jnp.zeros((_L, _D), dtype=jnp.float32)
    pe = pe.at[:, 0::2].set(jnp.sin(angles))
    pe = pe.at[:, 1::2].set(jnp.cos(angles))
    return pe


def _sc_body(x_hbm, pe_hbm, tab_hbm, out_hbm, pe_v, idx_v, buf_v, *sems):
    gsems = sems[:_NBUF]
    osems = sems[_NBUF:]
    wid = lax.axis_index("s") * 2 + lax.axis_index("c")
    pltpu.sync_copy(pe_hbm, pe_v)
    pltpu.sync_copy(x_hbm.at[pl.ds(wid * _IDXROWS, _IDXROWS)], idx_v)
    base_out = wid * _PER_W

    def gather(c, b, start):
        r = 2 * c
        for j in range(2):
            cp = pltpu.make_async_copy(
                tab_hbm.at[idx_v.at[r + j]],
                buf_v.at[b, pl.ds(j * _IDXW, _IDXW)],
                gsems[b],
            )
            if start:
                cp.start()
            else:
                cp.wait()

    def drain_out(b):
        pltpu.make_async_copy(
            buf_v.at[b], out_hbm.at[pl.ds(base_out, _CHUNK)], osems[b]
        ).wait()

    gather(0, 0, start=True)
    gather(1, 1, start=True)

    def step(cc, carry):
        for b in range(_NBUF):
            c = _NBUF * cc + b
            gather(c, b, start=False)
            b2 = (b + 2) % _NBUF
            if b < 2:
                @pl.when(cc > 0)
                def _():
                    drain_out(b2)
                gather(c + 2, b2, start=True)
            else:
                @pl.when(cc < _NCH // _NBUF - 1)
                def _():
                    drain_out(b2)
                    gather(c + 2, b2, start=True)

            @plsc.parallel_loop(0, _CHUNK, unroll=4)
            def _(r):
                for g in range(4):
                    sl = pl.ds(g * 16, 16)
                    plsc.addupdate(buf_v.at[b, r, sl], pe_v[r, sl])

            pltpu.async_copy(
                buf_v.at[b],
                out_hbm.at[pl.ds(base_out + c * _CHUNK, _CHUNK)],
                osems[b],
            )
        return carry

    lax.fori_loop(0, _NCH // _NBUF, step, 0)
    for b in range(_NBUF):
        drain_out(b)


def kernel(x, neigh, table):
    del neigh
    x2 = x.reshape(_ROWS // _IDXW, _IDXW).astype(jnp.int32)
    pe = _pe_table()
    mesh = plsc.VectorSubcoreMesh(core_axis_name="c", subcore_axis_name="s")
    run = pl.kernel(
        _sc_body,
        out_type=jax.ShapeDtypeStruct((_ROWS, _D), jnp.float32),
        mesh=mesh,
        compiler_params=pltpu.CompilerParams(use_tc_tiling_on_sc=False),
        scratch_types=[
            pltpu.VMEM((_L, _D), jnp.float32),
            pltpu.VMEM((_IDXROWS, _IDXW), jnp.int32),
            pltpu.VMEM((_NBUF, _CHUNK, _D), jnp.float32),
        ]
        + [pltpu.SemaphoreType.DMA] * (2 * _NBUF),
    )
    out = run(x2, pe, table)
    return out.reshape(_B, _L, _D)

# --- scband reference (transcript-rebuilt; emitter-appended) ---
"""Pipeline reference for scband-expression-embedder-111669150262 (READ-ONLY COPY).

The authoritative reference and input builder live on the scoring server;
editing this copy changes nothing except your own understanding.
"""

import jax, jax.numpy as jnp
import numpy as np

VOCAB = 100000
EMB_DIM = 64
BATCH = 4096
SEQ = 200

def sinusoidal_pe(length, d_model):
    pos = jnp.arange(length, dtype=jnp.float32)[:, None]
    div = jnp.exp(jnp.arange(0, d_model, 2, dtype=jnp.float32) * (-(np.log(10000.0) / d_model)))
    angles = pos * div[None, :]
    pe = jnp.zeros((length, d_model), dtype=jnp.float32)
    pe = pe.at[:, 0::2].set(jnp.sin(angles))
    pe = pe.at[:, 1::2].set(jnp.cos(angles))
    return pe

def setup_inputs(seed: int = 0) -> dict:
    key = jax.random.key(seed)
    k1, k2 = jax.random.split(key)
    x = jax.random.randint(k1, (BATCH, SEQ), 0, VOCAB, dtype=jnp.int64 if jax.config.jax_enable_x64 else jnp.int32)
    table = jax.random.normal(k2, (VOCAB, EMB_DIM), dtype=jnp.float32)
    return {"x": x, "neigh": 0, "table": table}

def reference(x, neigh, table):
    # tokenizer_type == 'gene_name', neigh falsy branch, cat_exp_pos == False
    exp_embedding = jnp.take(table, x, axis=0)  # [B, L, D] embedding lookup
    batch_size, exp_len, d = exp_embedding.shape
    pe = sinusoidal_pe(exp_len, d)  # [L, D]
    # repeat(batch_size, 1, 1) then add -> broadcast add
    expression_embedding = exp_embedding + pe[None, :, :]
    return expression_embedding

if __name__ == "__main__":
    import jax
    _d = setup_inputs()
    print(jax.jit(kernel)(*tuple(_d.values())))

</pallas_src>

<mosaic_0001>
#map = affine_map<(d0, d1) -> (0, 0)>
module attributes {stable_mosaic.version = 14 : i64} {
  func.func @_sc_body(%arg0: i32, %arg1: i32, %arg2: memref<8192x100xi32, #tpu.memory_space<hbm>>, %arg3: memref<200x64xf32, #tpu.memory_space<hbm>>, %arg4: memref<100000x64xf32, #tpu.memory_space<hbm>>, %arg5: memref<819200x64xf32, #tpu.memory_space<hbm>>, %arg6: memref<200x64xf32, #tpu.memory_space<vmem>>, %arg7: memref<256x100xi32, #tpu.memory_space<vmem>>, %arg8: memref<4x200x64xf32, #tpu.memory_space<vmem>>, %arg9: memref<!tpu.dma_semaphore, #tpu.memory_space<semaphore_mem>>, %arg10: memref<!tpu.dma_semaphore, #tpu.memory_space<semaphore_mem>>, %arg11: memref<!tpu.dma_semaphore, #tpu.memory_space<semaphore_mem>>, %arg12: memref<!tpu.dma_semaphore, #tpu.memory_space<semaphore_mem>>, %arg13: memref<!tpu.dma_semaphore, #tpu.memory_space<semaphore_mem>>, %arg14: memref<!tpu.dma_semaphore, #tpu.memory_space<semaphore_mem>>, %arg15: memref<!tpu.dma_semaphore, #tpu.memory_space<semaphore_mem>>, %arg16: memref<!tpu.dma_semaphore, #tpu.memory_space<semaphore_mem>>) attributes {dimension_semantics = [#tpu.dimension_semantics<core_parallel>, #tpu.dimension_semantics<subcore_parallel>], iteration_bounds = array<i64: 2, 16>, scalar_prefetch = 0 : i64, scratch_operands = 11 : i64, tpu.core_type = #tpu.core_type<sc_vector_subcore>, window_params = [{transform_indices = #map}, {transform_indices = #map}, {transform_indices = #map}, {transform_indices = #map}]} {
    %mul3A = arith.constant 2 : i32
    %mul3A_0 = arith.muli %arg1, %mul3A : i32
    %add3A = arith.addi %mul3A_0, %arg0 : i32
    "tpu.region"() ({
      %run_scoped3A = tpu.sem_alloc : memref<!tpu.dma_semaphore, #tpu.memory_space<semaphore_mem>>
      tpu.enqueue_dma source(%arg3 : memref<200x64xf32, #tpu.memory_space<hbm>>) target(%arg6 : memref<200x64xf32, #tpu.memory_space<vmem>>) target_semaphore(%run_scoped3A : memref<!tpu.dma_semaphore, #tpu.memory_space<semaphore_mem>>)
      tpu.wait_dma2 semaphore(%run_scoped3A : memref<!tpu.dma_semaphore, #tpu.memory_space<semaphore_mem>>) src(%arg3 : memref<200x64xf32, #tpu.memory_space<hbm>>) dst(%arg6 : memref<200x64xf32, #tpu.memory_space<vmem>>)
      tpu.yield
    }) : () -> ()
    %mul3A_1 = arith.constant 256 : i32
    %mul3A_2 = arith.muli %add3A, %mul3A_1 : i32
    "tpu.region"() ({
      %run_scoped3A = tpu.sem_alloc : memref<!tpu.dma_semaphore, #tpu.memory_space<semaphore_mem>>
      %dma_start3A_108 = arith.constant 0 : i32
      %dma_start3A_109 = tpu.memref_slice %arg2[%mul3A_2, %dma_start3A_108] : memref<8192x100xi32, #tpu.memory_space<hbm>> -> memref<256x100xi32, #tpu.memory_space<hbm>>
      %dma_start3A_110 = arith.constant 0 : i32
      %dma_start3A_111 = tpu.memref_slice %arg2[%mul3A_2, %dma_start3A_110] : memref<8192x100xi32, #tpu.memory_space<hbm>> -> memref<256x100xi32, #tpu.memory_space<hbm>>
      tpu.enqueue_dma source(%dma_start3A_111 : memref<256x100xi32, #tpu.memory_space<hbm>>) target(%arg7 : memref<256x100xi32, #tpu.memory_space<vmem>>) target_semaphore(%run_scoped3A : memref<!tpu.dma_semaphore, #tpu.memory_space<semaphore_mem>>)
      %dma_wait3A_112 = arith.constant 0 : i32
      %dma_wait3A_113 = tpu.memref_slice %arg2[%mul3A_2, %dma_wait3A_112] : memref<8192x100xi32, #tpu.memory_space<hbm>> -> memref<256x100xi32, #tpu.memory_space<hbm>>
      %dma_wait3A_114 = arith.constant 0 : i32
      %dma_wait3A_115 = tpu.memref_slice %arg2[%mul3A_2, %dma_wait3A_114] : memref<8192x100xi32, #tpu.memory_space<hbm>> -> memref<256x100xi32, #tpu.memory_space<hbm>>
      tpu.wait_dma2 semaphore(%run_scoped3A : memref<!tpu.dma_semaphore, #tpu.memory_space<semaphore_mem>>) src(%dma_wait3A_115 : memref<256x100xi32, #tpu.memory_space<hbm>>) dst(%arg7 : memref<256x100xi32, #tpu.memory_space<vmem>>)
      tpu.yield
    }) : () -> ()
    %mul3A_3 = arith.constant 25600 : i32
    %mul3A_4 = arith.muli %add3A, %mul3A_3 : i32
    %dma_start3A = arith.constant 0 : i32
    %dma_start3A_5 = arith.constant 0 : i32
    %dma_start3A_6 = arith.constant 0 : i32
    %dma_start3A_7 = arith.constant 0 : i32
    %dma_start3A_8 = tpu.memref_slice %arg8[%dma_start3A_5, %dma_start3A_6, %dma_start3A_7] : memref<4x200x64xf32, #tpu.memory_space<vmem>> -> memref<1x100x64xf32, #tpu.memory_space<vmem>>
    %dma_start3A_9 = tpu.memref_squeeze %dma_start3A_8 : memref<1x100x64xf32, #tpu.memory_space<vmem>> -> memref<100x64xf32, #tpu.memory_space<vmem>>
    %dma_start3A_10 = arith.constant 0 : i32
    %dma_start3A_11 = tpu.memref_slice %arg7[%dma_start3A, %dma_start3A_10] : memref<256x100xi32, #tpu.memory_space<vmem>> -> memref<1x100xi32, #tpu.memory_space<vmem>>
    %dma_start3A_12 = tpu.memref_squeeze %dma_start3A_11 : memref<1x100xi32, #tpu.memory_space<vmem>> -> memref<100xi32, #tpu.memory_space<vmem>>
    %dma_start3A_13 = arith.constant 0 : i32
    %dma_start3A_14 = arith.constant 0 : i32
    %dma_start3A_15 = tpu.memref_slice %arg4[%dma_start3A_13, %dma_start3A_14] : memref<100000x64xf32, #tpu.memory_space<hbm>> -> memref<100000x64xf32, #tpu.memory_space<hbm>>
    tpu.enqueue_indirect_dma source(%dma_start3A_15 : memref<100000x64xf32, #tpu.memory_space<hbm>>) target(%dma_start3A_9 : memref<100x64xf32, #tpu.memory_space<vmem>>) offsets(%dma_start3A_12 : memref<100xi32, #tpu.memory_space<vmem>>) semaphore(%arg9 : memref<!tpu.dma_semaphore, #tpu.memory_space<semaphore_mem>>)
    %dma_start3A_16 = arith.constant 1 : i32
    %dma_start3A_17 = arith.constant 0 : i32
    %dma_start3A_18 = arith.constant 100 : i32
    %dma_start3A_19 = arith.constant 0 : i32
    %dma_start3A_20 = tpu.memref_slice %arg8[%dma_start3A_17, %dma_start3A_18, %dma_start3A_19] : memref<4x200x64xf32, #tpu.memory_space<vmem>> -> memref<1x100x64xf32, #tpu.memory_space<vmem>>
    %dma_start3A_21 = tpu.memref_squeeze %dma_start3A_20 : memref<1x100x64xf32, #tpu.memory_space<vmem>> -> memref<100x64xf32, #tpu.memory_space<vmem>>
    %dma_start3A_22 = arith.constant 0 : i32
    %dma_start3A_23 = tpu.memref_slice %arg7[%dma_start3A_16, %dma_start3A_22] : memref<256x100xi32, #tpu.memory_space<vmem>> -> memref<1x100xi32, #tpu.memory_space<vmem>>
    %dma_start3A_24 = tpu.memref_squeeze %dma_start3A_23 : memref<1x100xi32, #tpu.memory_space<vmem>> -> memref<100xi32, #tpu.memory_space<vmem>>
    %dma_start3A_25 = arith.constant 0 : i32
    %dma_start3A_26 = arith.constant 0 : i32
    %dma_start3A_27 = tpu.memref_slice %arg4[%dma_start3A_25, %dma_start3A_26] : memref<100000x64xf32, #tpu.memory_space<hbm>> -> memref<100000x64xf32, #tpu.memory_space<hbm>>
    tpu.enqueue_indirect_dma source(%dma_start3A_27 : memref<100000x64xf32, #tpu.memory_space<hbm>>) target(%dma_start3A_21 : memref<100x64xf32, #tpu.memory_space<vmem>>) offsets(%dma_start3A_24 : memref<100xi32, #tpu.memory_space<vmem>>) semaphore(%arg9 : memref<!tpu.dma_semaphore, #tpu.memory_space<semaphore_mem>>)
    %dma_start3A_28 = arith.constant 2 : i32
    %dma_start3A_29 = arith.constant 1 : i32
    %dma_start3A_30 = arith.constant 0 : i32
    %dma_start3A_31 = arith.constant 0 : i32
    %dma_start3A_32 = tpu.memref_slice %arg8[%dma_start3A_29, %dma_start3A_30, %dma_start3A_31] : memref<4x200x64xf32, #tpu.memory_space<vmem>> -> memref<1x100x64xf32, #tpu.memory_space<vmem>>
    %dma_start3A_33 = tpu.memref_squeeze %dma_start3A_32 : memref<1x100x64xf32, #tpu.memory_space<vmem>> -> memref<100x64xf32, #tpu.memory_space<vmem>>
    %dma_start3A_34 = arith.constant 0 : i32
    %dma_start3A_35 = tpu.memref_slice %arg7[%dma_start3A_28, %dma_start3A_34] : memref<256x100xi32, #tpu.memory_space<vmem>> -> memref<1x100xi32, #tpu.memory_space<vmem>>
    %dma_start3A_36 = tpu.memref_squeeze %dma_start3A_35 : memref<1x100xi32, #tpu.memory_space<vmem>> -> memref<100xi32, #tpu.memory_space<vmem>>
    %dma_start3A_37 = arith.constant 0 : i32
    %dma_start3A_38 = arith.constant 0 : i32
    %dma_start3A_39 = tpu.memref_slice %arg4[%dma_start3A_37, %dma_start3A_38] : memref<100000x64xf32, #tpu.memory_space<hbm>> -> memref<100000x64xf32, #tpu.memory_space<hbm>>
    tpu.enqueue_indirect_dma source(%dma_start3A_39 : memref<100000x64xf32, #tpu.memory_space<hbm>>) target(%dma_start3A_33 : memref<100x64xf32, #tpu.memory_space<vmem>>) offsets(%dma_start3A_36 : memref<100xi32, #tpu.memory_space<vmem>>) semaphore(%arg10 : memref<!tpu.dma_semaphore, #tpu.memory_space<semaphore_mem>>)
    %dma_start3A_40 = arith.constant 3 : i32
    %dma_start3A_41 = arith.constant 1 : i32
    %dma_start3A_42 = arith.constant 100 : i32
    %dma_start3A_43 = arith.constant 0 : i32
    %dma_start3A_44 = tpu.memref_slice %arg8[%dma_start3A_41, %dma_start3A_42, %dma_start3A_43] : memref<4x200x64xf32, #tpu.memory_space<vmem>> -> memref<1x100x64xf32, #tpu.memory_space<vmem>>
    %dma_start3A_45 = tpu.memref_squeeze %dma_start3A_44 : memref<1x100x64xf32, #tpu.memory_space<vmem>> -> memref<100x64xf32, #tpu.memory_space<vmem>>
    %dma_start3A_46 = arith.constant 0 : i32
    %dma_start3A_47 = tpu.memref_slice %arg7[%dma_start3A_40, %dma_start3A_46] : memref<256x100xi32, #tpu.memory_space<vmem>> -> memref<1x100xi32, #tpu.memory_space<vmem>>
    %dma_start3A_48 = tpu.memref_squeeze %dma_start3A_47 : memref<1x100xi32, #tpu.memory_space<vmem>> -> memref<100xi32, #tpu.memory_space<vmem>>
    %dma_start3A_49 = arith.constant 0 : i32
    %dma_start3A_50 = arith.constant 0 : i32
    %dma_start3A_51 = tpu.memref_slice %arg4[%dma_start3A_49, %dma_start3A_50] : memref<100000x64xf32, #tpu.memory_space<hbm>> -> memref<100000x64xf32, #tpu.memory_space<hbm>>
    tpu.enqueue_indirect_dma source(%dma_start3A_51 : memref<100000x64xf32, #tpu.memory_space<hbm>>) target(%dma_start3A_45 : memref<100x64xf32, #tpu.memory_space<vmem>>) offsets(%dma_start3A_48 : memref<100xi32, #tpu.memory_space<vmem>>) semaphore(%arg10 : memref<!tpu.dma_semaphore, #tpu.memory_space<semaphore_mem>>)
    %scan3A = arith.constant 0 : i32
    %scan3A_52 = arith.constant 0 : i32
    %scan3A_53 = arith.constant 32 : i32
    %scan3A_54 = arith.addi %scan3A_52, %scan3A_53 : i32
    %scan3A_55 = arith.constant 1 : i32
    scf.for %scan3A_108 = %scan3A_52 to %scan3A_54 step %scan3A_55  : i32 {
      %mul3A_109 = arith.constant 4 : i32
      %mul3A_110 = arith.muli %mul3A_109, %scan3A_108 : i32
      %add3A_111 = arith.constant 0 : i32
      %add3A_112 = arith.addi %mul3A_110, %add3A_111 : i32
      %mul3A_113 = arith.constant 2 : i32
      %mul3A_114 = arith.muli %mul3A_113, %add3A_112 : i32
      %add3A_115 = arith.constant 0 : i32
      %add3A_116 = arith.addi %mul3A_114, %add3A_115 : i32
      %dma_wait3A_117 = arith.constant 0 : i32
      %dma_wait3A_118 = arith.constant 0 : i32
      %dma_wait3A_119 = arith.constant 0 : i32
      %dma_wait3A_120 = tpu.memref_slice %arg8[%dma_wait3A_117, %dma_wait3A_118, %dma_wait3A_119] : memref<4x200x64xf32, #tpu.memory_space<vmem>> -> memref<1x100x64xf32, #tpu.memory_space<vmem>>
      %dma_wait3A_121 = tpu.memref_squeeze %dma_wait3A_120 : memref<1x100x64xf32, #tpu.memory_space<vmem>> -> memref<100x64xf32, #tpu.memory_space<vmem>>
      %dma_wait3A_122 = arith.constant 0 : i32
      %dma_wait3A_123 = tpu.memref_slice %arg7[%add3A_116, %dma_wait3A_122] : memref<256x100xi32, #tpu.memory_space<vmem>> -> memref<1x100xi32, #tpu.memory_space<vmem>>
      %dma_wait3A_124 = tpu.memref_squeeze %dma_wait3A_123 : memref<1x100xi32, #tpu.memory_space<vmem>> -> memref<100xi32, #tpu.memory_space<vmem>>
      %dma_wait3A_125 = arith.constant 0 : i32
      %dma_wait3A_126 = arith.constant 0 : i32
      %dma_wait3A_127 = tpu.memref_slice %arg4[%dma_wait3A_125, %dma_wait3A_126] : memref<100000x64xf32, #tpu.memory_space<hbm>> -> memref<100000x64xf32, #tpu.memory_space<hbm>>
      tpu.wait_indirect_dma semaphore(%arg9 : memref<!tpu.dma_semaphore, #tpu.memory_space<semaphore_mem>>) src(%dma_wait3A_127 : memref<100000x64xf32, #tpu.memory_space<hbm>>) dst(%dma_wait3A_121 : memref<100x64xf32, #tpu.memory_space<vmem>>)
      %add3A_128 = arith.constant 1 : i32
      %add3A_129 = arith.addi %mul3A_114, %add3A_128 : i32
      %dma_wait3A_130 = arith.constant 0 : i32
      %dma_wait3A_131 = arith.constant 100 : i32
      %dma_wait3A_132 = arith.constant 0 : i32
      %dma_wait3A_133 = tpu.memref_slice %arg8[%dma_wait3A_130, %dma_wait3A_131, %dma_wait3A_132] : memref<4x200x64xf32, #tpu.memory_space<vmem>> -> memref<1x100x64xf32, #tpu.memory_space<vmem>>
      %dma_wait3A_134 = tpu.memref_squeeze %dma_wait3A_133 : memref<1x100x64xf32, #tpu.memory_space<vmem>> -> memref<100x64xf32, #tpu.memory_space<vmem>>
      %dma_wait3A_135 = arith.constant 0 : i32
      %dma_wait3A_136 = tpu.memref_slice %arg7[%add3A_129, %dma_wait3A_135] : memref<256x100xi32, #tpu.memory_space<vmem>> -> memref<1x100xi32, #tpu.memory_space<vmem>>
      %dma_wait3A_137 = tpu.memref_squeeze %dma_wait3A_136 : memref<1x100xi32, #tpu.memory_space<vmem>> -> memref<100xi32, #tpu.memory_space<vmem>>
      %dma_wait3A_138 = arith.constant 0 : i32
      %dma_wait3A_139 = arith.constant 0 : i32
      %dma_wait3A_140 = tpu.memref_slice %arg4[%dma_wait3A_138, %dma_wait3A_139] : memref<100000x64xf32, #tpu.memory_space<hbm>> -> memref<100000x64xf32, #tpu.memory_space<hbm>>
      tpu.wait_indirect_dma semaphore(%arg9 : memref<!tpu.dma_semaphore, #tpu.memory_space<semaphore_mem>>) src(%dma_wait3A_140 : memref<100000x64xf32, #tpu.memory_space<hbm>>) dst(%dma_wait3A_134 : memref<100x64xf32, #tpu.memory_space<vmem>>)
      %gt3A = arith.constant 0 : i32
      %gt3A_141 = arith.cmpi sgt, %scan3A_108, %gt3A : i32
      %convert_element_type3A = arith.extui %gt3A_141 : i1 to i32
      %cond3A = arith.constant 0 : i32
      %cond3A_142 = arith.cmpi ne, %convert_element_type3A, %cond3A : i32
      scf.if %cond3A_142 {
        %dma_wait3A_388 = arith.constant 2 : i32
        %dma_wait3A_389 = arith.constant 0 : i32
        %dma_wait3A_390 = arith.constant 0 : i32
        %dma_wait3A_391 = tpu.memref_slice %arg8[%dma_wait3A_388, %dma_wait3A_389, %dma_wait3A_390] : memref<4x200x64xf32, #tpu.memory_space<vmem>> -> memref<1x200x64xf32, #tpu.memory_space<vmem>>
        %dma_wait3A_392 = tpu.memref_squeeze %dma_wait3A_391 : memref<1x200x64xf32, #tpu.memory_space<vmem>> -> memref<200x64xf32, #tpu.memory_space<vmem>>
        %dma_wait3A_393 = arith.constant 0 : i32
        %dma_wait3A_394 = tpu.memref_slice %arg5[%mul3A_4, %dma_wait3A_393] : memref<819200x64xf32, #tpu.memory_space<hbm>> -> memref<200x64xf32, #tpu.memory_space<hbm>>
        %dma_wait3A_395 = arith.constant 0 : i32
        %dma_wait3A_396 = tpu.memref_slice %arg5[%mul3A_4, %dma_wait3A_395] : memref<819200x64xf32, #tpu.memory_space<hbm>> -> memref<200x64xf32, #tpu.memory_space<hbm>>
        %dma_wait3A_397 = arith.constant 0 : i32
        %dma_wait3A_398 = arith.constant 0 : i32
        %dma_wait3A_399 = tpu.memref_slice %arg8[%dma_wait3A_388, %dma_wait3A_397, %dma_wait3A_398] : memref<4x200x64xf32, #tpu.memory_space<vmem>> -> memref<1x200x64xf32, #tpu.memory_space<vmem>>
        %dma_wait3A_400 = tpu.memref_squeeze %dma_wait3A_399 : memref<1x200x64xf32, #tpu.memory_space<vmem>> -> memref<200x64xf32, #tpu.memory_space<vmem>>
        tpu.wait_dma2 semaphore(%arg15 : memref<!tpu.dma_semaphore, #tpu.memory_space<semaphore_mem>>) src(%dma_wait3A_400 : memref<200x64xf32, #tpu.memory_space<vmem>>) dst(%dma_wait3A_396 : memref<200x64xf32, #tpu.memory_space<hbm>>)
      } else {
      }
      %add3A_143 = arith.constant 2 : i32
      %add3A_144 = arith.addi %add3A_112, %add3A_143 : i32
      %mul3A_145 = arith.constant 2 : i32
      %mul3A_146 = arith.muli %mul3A_145, %add3A_144 : i32
      %add3A_147 = arith.constant 0 : i32
      %add3A_148 = arith.addi %mul3A_146, %add3A_147 : i32
      %dma_start3A_149 = arith.constant 2 : i32
      %dma_start3A_150 = arith.constant 0 : i32
      %dma_start3A_151 = arith.constant 0 : i32
      %dma_start3A_152 = tpu.memref_slice %arg8[%dma_start3A_149, %dma_start3A_150, %dma_start3A_151] : memref<4x200x64xf32, #tpu.memory_space<vmem>> -> memref<1x100x64xf32, #tpu.memory_space<vmem>>
      %dma_start3A_153 = tpu.memref_squeeze %dma_start3A_152 : memref<1x100x64xf32, #tpu.memory_space<vmem>> -> memref<100x64xf32, #tpu.memory_space<vmem>>
      %dma_start3A_154 = arith.constant 0 : i32
      %dma_start3A_155 = tpu.memref_slice %arg7[%add3A_148, %dma_start3A_154] : memref<256x100xi32, #tpu.memory_space<vmem>> -> memref<1x100xi32, #tpu.memory_space<vmem>>
      %dma_start3A_156 = tpu.memref_squeeze %dma_start3A_155 : memref<1x100xi32, #tpu.memory_space<vmem>> -> memref<100xi32, #tpu.memory_space<vmem>>
      %dma_start3A_157 = arith.constant 0 : i32
      %dma_start3A_158 = arith.constant 0 : i32
      %dma_start3A_159 = tpu.memref_slice %arg4[%dma_start3A_157, %dma_start3A_158] : memref<100000x64xf32, #tpu.memory_space<hbm>> -> memref<100000x64xf32, #tpu.memory_space<hbm>>
      tpu.enqueue_indirect_dma source(%dma_start3A_159 : memref<100000x64xf32, #tpu.memory_space<hbm>>) target(%dma_start3A_153 : memref<100x64xf32, #tpu.memory_space<vmem>>) offsets(%dma_start3A_156 : memref<100xi32, #tpu.memory_space<vmem>>) semaphore(%arg11 : memref<!tpu.dma_semaphore, #tpu.memory_space<semaphore_mem>>)
      %add3A_160 = arith.constant 1 : i32
      %add3A_161 = arith.addi %mul3A_146, %add3A_160 : i32
      %dma_start3A_162 = arith.constant 2 : i32
      %dma_start3A_163 = arith.constant 100 : i32
      %dma_start3A_164 = arith.constant 0 : i32
      %dma_start3A_165 = tpu.memref_slice %arg8[%dma_start3A_162, %dma_start3A_163, %dma_start3A_164] : memref<4x200x64xf32, #tpu.memory_space<vmem>> -> memref<1x100x64xf32, #tpu.memory_space<vmem>>
      %dma_start3A_166 = tpu.memref_squeeze %dma_start3A_165 : memref<1x100x64xf32, #tpu.memory_space<vmem>> -> memref<100x64xf32, #tpu.memory_space<vmem>>
      %dma_start3A_167 = arith.constant 0 : i32
      %dma_start3A_168 = tpu.memref_slice %arg7[%add3A_161, %dma_start3A_167] : memref<256x100xi32, #tpu.memory_space<vmem>> -> memref<1x100xi32, #tpu.memory_space<vmem>>
      %dma_start3A_169 = tpu.memref_squeeze %dma_start3A_168 : memref<1x100xi32, #tpu.memory_space<vmem>> -> memref<100xi32, #tpu.memory_space<vmem>>
      %dma_start3A_170 = arith.constant 0 : i32
      %dma_start3A_171 = arith.constant 0 : i32
      %dma_start3A_172 = tpu.memref_slice %arg4[%dma_start3A_170, %dma_start3A_171] : memref<100000x64xf32, #tpu.memory_space<hbm>> -> memref<100000x64xf32, #tpu.memory_space<hbm>>
      tpu.enqueue_indirect_dma source(%dma_start3A_172 : memref<100000x64xf32, #tpu.memory_space<hbm>>) target(%dma_start3A_166 : memref<100x64xf32, #tpu.memory_space<vmem>>) offsets(%dma_start3A_169 : memref<100xi32, #tpu.memory_space<vmem>>) semaphore(%arg11 : memref<!tpu.dma_semaphore, #tpu.memory_space<semaphore_mem>>)
      %parallel_loop3A = arith.constant 0 : i32
      %parallel_loop3A_173 = arith.constant 200 : i32
      %parallel_loop3A_174 = arith.constant 1 : i32
      scf.for %parallel_loop3A_388 = %parallel_loop3A to %parallel_loop3A_173 step %parallel_loop3A_174  : i32 {
        %parallel_loop3A_389 = arith.index_cast %parallel_loop3A_388 : i32 to index
        %parallel_loop3A_390 = arith.constant 0 : index
        %parallel_loop3A_391 = tpu.vector_load %arg6[%parallel_loop3A_389, %parallel_loop3A_390] {strides = array<i32>} : memref<200x64xf32, #tpu.memory_space<vmem>>, vector<1x16xf32>,
        %parallel_loop3A_392 = vector.shape_cast %parallel_loop3A_391 : vector<1x16xf32> to vector<16xf32>
        %parallel_loop3A_393 = arith.constant 0 : i32
        %parallel_loop3A_394 = arith.index_cast %parallel_loop3A_393 : i32 to index
        %parallel_loop3A_395 = arith.index_cast %parallel_loop3A_388 : i32 to index
        %parallel_loop3A_396 = arith.constant 0 : index
        %parallel_loop3A_397 = tpu.vector_load %arg8[%parallel_loop3A_394, %parallel_loop3A_395, %parallel_loop3A_396] {strides = array<i32>} : memref<4x200x64xf32, #tpu.memory_space<vmem>>, vector<1x1x16xf32>,
        %parallel_loop3A_398 = vector.shape_cast %parallel_loop3A_397 : vector<1x1x16xf32> to vector<16xf32>
        %parallel_loop3A_399 = vector.shape_cast %parallel_loop3A_392 : vector<16xf32> to vector<1x1x16xf32>
        tpu.vector_store %arg8[%parallel_loop3A_394, %parallel_loop3A_395, %parallel_loop3A_396], %parallel_loop3A_399 {add = true, strides = array<i32>} : memref<4x200x64xf32, #tpu.memory_space<vmem>>, vector<1x1x16xf32>,
        %parallel_loop3A_400 = arith.index_cast %parallel_loop3A_388 : i32 to index
        %parallel_loop3A_401 = arith.constant 16 : index
        %parallel_loop3A_402 = tpu.vector_load %arg6[%parallel_loop3A_400, %parallel_loop3A_401] {strides = array<i32>} : memref<200x64xf32, #tpu.memory_space<vmem>>, vector<1x16xf32>,
        %parallel_loop3A_403 = vector.shape_cast %parallel_loop3A_402 : vector<1x16xf32> to vector<16xf32>
        %parallel_loop3A_404 = arith.constant 0 : i32
        %parallel_loop3A_405 = arith.index_cast %parallel_loop3A_404 : i32 to index
        %parallel_loop3A_406 = arith.index_cast %parallel_loop3A_388 : i32 to index
        %parallel_loop3A_407 = arith.constant 16 : index
        %parallel_loop3A_408 = tpu.vector_load %arg8[%parallel_loop3A_405, %parallel_loop3A_406, %parallel_loop3A_407] {strides = array<i32>} : memref<4x200x64xf32, #tpu.memory_space<vmem>>, vector<1x1x16xf32>,
        %parallel_loop3A_409 = vector.shape_cast %parallel_loop3A_408 : vector<1x1x16xf32> to vector<16xf32>
        %parallel_loop3A_410 = vector.shape_cast %parallel_loop3A_403 : vector<16xf32> to vector<1x1x16xf32>
        tpu.vector_store %arg8[%parallel_loop3A_405, %parallel_loop3A_406, %parallel_loop3A_407], %parallel_loop3A_410 {add = true, strides = array<i32>} : memref<4x200x64xf32, #tpu.memory_space<vmem>>, vector<1x1x16xf32>,
        %parallel_loop3A_411 = arith.index_cast %parallel_loop3A_388 : i32 to index
        %parallel_loop3A_412 = arith.constant 32 : index
        %parallel_loop3A_413 = tpu.vector_load %arg6[%parallel_loop3A_411, %parallel_loop3A_412] {strides = array<i32>} : memref<200x64xf32, #tpu.memory_space<vmem>>, vector<1x16xf32>,
        %parallel_loop3A_414 = vector.shape_cast %parallel_loop3A_413 : vector<1x16xf32> to vector<16xf32>
        %parallel_loop3A_415 = arith.constant 0 : i32
        %parallel_loop3A_416 = arith.index_cast %parallel_loop3A_415 : i32 to index
        %parallel_loop3A_417 = arith.index_cast %parallel_loop3A_388 : i32 to index
        %parallel_loop3A_418 = arith.constant 32 : index
        %parallel_loop3A_419 = tpu.vector_load %arg8[%parallel_loop3A_416, %parallel_loop3A_417, %parallel_loop3A_418] {strides = array<i32>} : memref<4x200x64xf32, #tpu.memory_space<vmem>>, vector<1x1x16xf32>,
        %parallel_loop3A_420 = vector.shape_cast %parallel_loop3A_419 : vector<1x1x16xf32> to vector<16xf32>
        %parallel_loop3A_421 = vector.shape_cast %parallel_loop3A_414 : vector<16xf32> to vector<1x1x16xf32>
        tpu.vector_store %arg8[%parallel_loop3A_416, %parallel_loop3A_417, %parallel_loop3A_418], %parallel_loop3A_421 {add = true, strides = array<i32>} : memref<4x200x64xf32, #tpu.memory_space<vmem>>, vector<1x1x16xf32>,
        %parallel_loop3A_422 = arith.index_cast %parallel_loop3A_388 : i32 to index
        %parallel_loop3A_423 = arith.constant 48 : index
        %parallel_loop3A_424 = tpu.vector_load %arg6[%parallel_loop3A_422, %parallel_loop3A_423] {strides = array<i32>} : memref<200x64xf32, #tpu.memory_space<vmem>>, vector<1x16xf32>,
        %parallel_loop3A_425 = vector.shape_cast %parallel_loop3A_424 : vector<1x16xf32> to vector<16xf32>
        %parallel_loop3A_426 = arith.constant 0 : i32
        %parallel_loop3A_427 = arith.index_cast %parallel_loop3A_426 : i32 to index
        %parallel_loop3A_428 = arith.index_cast %parallel_loop3A_388 : i32 to index
        %parallel_loop3A_429 = arith.constant 48 : index
        %parallel_loop3A_430 = tpu.vector_load %arg8[%parallel_loop3A_427, %parallel_loop3A_428, %parallel_loop3A_429] {strides = array<i32>} : memref<4x200x64xf32, #tpu.memory_space<vmem>>, vector<1x1x16xf32>,
        %parallel_loop3A_431 = vector.shape_cast %parallel_loop3A_430 : vector<1x1x16xf32> to vector<16xf32>
        %parallel_loop3A_432 = vector.shape_cast %parallel_loop3A_425 : vector<16xf32> to vector<1x1x16xf32>
        tpu.vector_store %arg8[%parallel_loop3A_427, %parallel_loop3A_428, %parallel_loop3A_429], %parallel_loop3A_432 {add = true, strides = array<i32>} : memref<4x200x64xf32, #tpu.memory_space<vmem>>, vector<1x1x16xf32>,
      } {sc.loop_unroll_factor = 4 : i64, sc.parallel_access}
      %mul3A_175 = arith.constant 200 : i32
      %mul3A_176 = arith.muli %add3A_112, %mul3A_175 : i32
      %add3A_177 = arith.addi %mul3A_4, %mul3A_176 : i32
      %dma_start3A_178 = arith.constant 0 : i32
      %dma_start3A_179 = arith.constant 0 : i32
      %dma_start3A_180 = arith.constant 0 : i32
      %dma_start3A_181 = tpu.memref_slice %arg8[%dma_start3A_178, %dma_start3A_179, %dma_start3A_180] : memref<4x200x64xf32, #tpu.memory_space<vmem>> -> memref<1x200x64xf32, #tpu.memory_space<vmem>>
      %dma_start3A_182 = tpu.memref_squeeze %dma_start3A_181 : memref<1x200x64xf32, #tpu.memory_space<vmem>> -> memref<200x64xf32, #tpu.memory_space<vmem>>
      %dma_start3A_183 = arith.constant 0 : i32
      %dma_start3A_184 = tpu.memref_slice %arg5[%add3A_177, %dma_start3A_183] : memref<819200x64xf32, #tpu.memory_space<hbm>> -> memref<200x64xf32, #tpu.memory_space<hbm>>
      %dma_start3A_185 = arith.constant 0 : i32
      %dma_start3A_186 = tpu.memref_slice %arg5[%add3A_177, %dma_start3A_185] : memref<819200x64xf32, #tpu.memory_space<hbm>> -> memref<200x64xf32, #tpu.memory_space<hbm>>
      %dma_start3A_187 = arith.constant 0 : i32
      %dma_start3A_188 = arith.constant 0 : i32
      %dma_start3A_189 = tpu.memref_slice %arg8[%dma_start3A_178, %dma_start3A_187, %dma_start3A_188] : memref<4x200x64xf32, #tpu.memory_space<vmem>> -> memref<1x200x64xf32, #tpu.memory_space<vmem>>
      %dma_start3A_190 = tpu.memref_squeeze %dma_start3A_189 : memref<1x200x64xf32, #tpu.memory_space<vmem>> -> memref<200x64xf32, #tpu.memory_space<vmem>>
      tpu.enqueue_dma source(%dma_start3A_190 : memref<200x64xf32, #tpu.memory_space<vmem>>) target(%dma_start3A_186 : memref<200x64xf32, #tpu.memory_space<hbm>>) target_semaphore(%arg13 : memref<!tpu.dma_semaphore, #tpu.memory_space<semaphore_mem>>)
      %mul3A_191 = arith.constant 4 : i32
      %mul3A_192 = arith.muli %mul3A_191, %scan3A_108 : i32
      %add3A_193 = arith.constant 1 : i32
      %add3A_194 = arith.addi %mul3A_192, %add3A_193 : i32
      %mul3A_195 = arith.constant 2 : i32
      %mul3A_196 = arith.muli %mul3A_195, %add3A_194 : i32
      %add3A_197 = arith.constant 0 : i32
      %add3A_198 = arith.addi %mul3A_196, %add3A_197 : i32
      %dma_wait3A_199 = arith.constant 1 : i32
      %dma_wait3A_200 = arith.constant 0 : i32
      %dma_wait3A_201 = arith.constant 0 : i32
      %dma_wait3A_202 = tpu.memref_slice %arg8[%dma_wait3A_199, %dma_wait3A_200, %dma_wait3A_201] : memref<4x200x64xf32, #tpu.memory_space<vmem>> -> memref<1x100x64xf32, #tpu.memory_space<vmem>>
      %dma_wait3A_203 = tpu.memref_squeeze %dma_wait3A_202 : memref<1x100x64xf32, #tpu.memory_space<vmem>> -> memref<100x64xf32, #tpu.memory_space<vmem>>
      %dma_wait3A_204 = arith.constant 0 : i32
      %dma_wait3A_205 = tpu.memref_slice %arg7[%add3A_198, %dma_wait3A_204] : memref<256x100xi32, #tpu.memory_space<vmem>> -> memref<1x100xi32, #tpu.memory_space<vmem>>
      %dma_wait3A_206 = tpu.memref_squeeze %dma_wait3A_205 : memref<1x100xi32, #tpu.memory_space<vmem>> -> memref<100xi32, #tpu.memory_space<vmem>>
      %dma_wait3A_207 = arith.constant 0 : i32
      %dma_wait3A_208 = arith.constant 0 : i32
      %dma_wait3A_209 = tpu.memref_slice %arg4[%dma_wait3A_207, %dma_wait3A_208] : memref<100000x64xf32, #tpu.memory_space<hbm>> -> memref<100000x64xf32, #tpu.memory_space<hbm>>
      tpu.wait_indirect_dma semaphore(%arg10 : memref<!tpu.dma_semaphore, #tpu.memory_space<semaphore_mem>>) src(%dma_wait3A_209 : memref<100000x64xf32, #tpu.memory_space<hbm>>) dst(%dma_wait3A_203 : memref<100x64xf32, #tpu.memory_space<vmem>>)
      %add3A_210 = arith.constant 1 : i32
      %add3A_211 = arith.addi %mul3A_196, %add3A_210 : i32
      %dma_wait3A_212 = arith.constant 1 : i32
      %dma_wait3A_213 = arith.constant 100 : i32
      %dma_wait3A_214 = arith.constant 0 : i32
      %dma_wait3A_215 = tpu.memref_slice %arg8[%dma_wait3A_212, %dma_wait3A_213, %dma_wait3A_214] : memref<4x200x64xf32, #tpu.memory_space<vmem>> -> memref<1x100x64xf32, #tpu.memory_space<vmem>>
      %dma_wait3A_216 = tpu.memref_squeeze %dma_wait3A_215 : memref<1x100x64xf32, #tpu.memory_space<vmem>> -> memref<100x64xf32, #tpu.memory_space<vmem>>
      %dma_wait3A_217 = arith.constant 0 : i32
      %dma_wait3A_218 = tpu.memref_slice %arg7[%add3A_211, %dma_wait3A_217] : memref<256x100xi32, #tpu.memory_space<vmem>> -> memref<1x100xi32, #tpu.memory_space<vmem>>
      %dma_wait3A_219 = tpu.memref_squeeze %dma_wait3A_218 : memref<1x100xi32, #tpu.memory_space<vmem>> -> memref<100xi32, #tpu.memory_space<vmem>>
      %dma_wait3A_220 = arith.constant 0 : i32
      %dma_wait3A_221 = arith.constant 0 : i32
      %dma_wait3A_222 = tpu.memref_slice %arg4[%dma_wait3A_220, %dma_wait3A_221] : memref<100000x64xf32, #tpu.memory_space<hbm>> -> memref<100000x64xf32, #tpu.memory_space<hbm>>
      tpu.wait_indirect_dma semaphore(%arg10 : memref<!tpu.dma_semaphore, #tpu.memory_space<semaphore_mem>>) src(%dma_wait3A_222 : memref<100000x64xf32, #tpu.memory_space<hbm>>) dst(%dma_wait3A_216 : memref<100x64xf32, #tpu.memory_space<vmem>>)
      %gt3A_223 = arith.constant 0 : i32
      %gt3A_224 = arith.cmpi sgt, %scan3A_108, %gt3A_223 : i32
      %convert_element_type3A_225 = arith.extui %gt3A_224 : i1 to i32
      %cond3A_226 = arith.constant 0 : i32
      %cond3A_227 = arith.cmpi ne, %convert_element_type3A_225, %cond3A_226 : i32
      scf.if %cond3A_227 {
        %dma_wait3A_388 = arith.constant 3 : i32
        %dma_wait3A_389 = arith.constant 0 : i32
        %dma_wait3A_390 = arith.constant 0 : i32
        %dma_wait3A_391 = tpu.memref_slice %arg8[%dma_wait3A_388, %dma_wait3A_389, %dma_wait3A_390] : memref<4x200x64xf32, #tpu.memory_space<vmem>> -> memref<1x200x64xf32, #tpu.memory_space<vmem>>
        %dma_wait3A_392 = tpu.memref_squeeze %dma_wait3A_391 : memref<1x200x64xf32, #tpu.memory_space<vmem>> -> memref<200x64xf32, #tpu.memory_space<vmem>>
        %dma_wait3A_393 = arith.constant 0 : i32
        %dma_wait3A_394 = tpu.memref_slice %arg5[%mul3A_4, %dma_wait3A_393] : memref<819200x64xf32, #tpu.memory_space<hbm>> -> memref<200x64xf32, #tpu.memory_space<hbm>>
        %dma_wait3A_395 = arith.constant 0 : i32
        %dma_wait3A_396 = tpu.memref_slice %arg5[%mul3A_4, %dma_wait3A_395] : memref<819200x64xf32, #tpu.memory_space<hbm>> -> memref<200x64xf32, #tpu.memory_space<hbm>>
        %dma_wait3A_397 = arith.constant 0 : i32
        %dma_wait3A_398 = arith.constant 0 : i32
        %dma_wait3A_399 = tpu.memref_slice %arg8[%dma_wait3A_388, %dma_wait3A_397, %dma_wait3A_398] : memref<4x200x64xf32, #tpu.memory_space<vmem>> -> memref<1x200x64xf32, #tpu.memory_space<vmem>>
        %dma_wait3A_400 = tpu.memref_squeeze %dma_wait3A_399 : memref<1x200x64xf32, #tpu.memory_space<vmem>> -> memref<200x64xf32, #tpu.memory_space<vmem>>
        tpu.wait_dma2 semaphore(%arg16 : memref<!tpu.dma_semaphore, #tpu.memory_space<semaphore_mem>>) src(%dma_wait3A_400 : memref<200x64xf32, #tpu.memory_space<vmem>>) dst(%dma_wait3A_396 : memref<200x64xf32, #tpu.memory_space<hbm>>)
      } else {
      }
      %add3A_228 = arith.constant 2 : i32
      %add3A_229 = arith.addi %add3A_194, %add3A_228 : i32
      %mul3A_230 = arith.constant 2 : i32
      %mul3A_231 = arith.muli %mul3A_230, %add3A_229 : i32
      %add3A_232 = arith.constant 0 : i32
      %add3A_233 = arith.addi %mul3A_231, %add3A_232 : i32
      %dma_start3A_234 = arith.constant 3 : i32
      %dma_start3A_235 = arith.constant 0 : i32
      %dma_start3A_236 = arith.constant 0 : i32
      %dma_start3A_237 = tpu.memref_slice %arg8[%dma_start3A_234, %dma_start3A_235, %dma_start3A_236] : memref<4x200x64xf32, #tpu.memory_space<vmem>> -> memref<1x100x64xf32, #tpu.memory_space<vmem>>
      %dma_start3A_238 = tpu.memref_squeeze %dma_start3A_237 : memref<1x100x64xf32, #tpu.memory_space<vmem>> -> memref<100x64xf32, #tpu.memory_space<vmem>>
      %dma_start3A_239 = arith.constant 0 : i32
      %dma_start3A_240 = tpu.memref_slice %arg7[%add3A_233, %dma_start3A_239] : memref<256x100xi32, #tpu.memory_space<vmem>> -> memref<1x100xi32, #tpu.memory_space<vmem>>
      %dma_start3A_241 = tpu.memref_squeeze %dma_start3A_240 : memref<1x100xi32, #tpu.memory_space<vmem>> -> memref<100xi32, #tpu.memory_space<vmem>>
      %dma_start3A_242 = arith.constant 0 : i32
      %dma_start3A_243 = arith.constant 0 : i32
      %dma_start3A_244 = tpu.memref_slice %arg4[%dma_start3A_242, %dma_start3A_243] : memref<100000x64xf32, #tpu.memory_space<hbm>> -> memref<100000x64xf32, #tpu.memory_space<hbm>>
      tpu.enqueue_indirect_dma source(%dma_start3A_244 : memref<100000x64xf32, #tpu.memory_space<hbm>>) target(%dma_start3A_238 : memref<100x64xf32, #tpu.memory_space<vmem>>) offsets(%dma_start3A_241 : memref<100xi32, #tpu.memory_space<vmem>>) semaphore(%arg12 : memref<!tpu.dma_semaphore, #tpu.memory_space<semaphore_mem>>)
      %add3A_245 = arith.constant 1 : i32
      %add3A_246 = arith.addi %mul3A_231, %add3A_245 : i32
      %dma_start3A_247 = arith.constant 3 : i32
      %dma_start3A_248 = arith.constant 100 : i32
      %dma_start3A_249 = arith.constant 0 : i32
      %dma_start3A_250 = tpu.memref_slice %arg8[%dma_start3A_247, %dma_start3A_248, %dma_start3A_249] : memref<4x200x64xf32, #tpu.memory_space<vmem>> -> memref<1x100x64xf32, #tpu.memory_space<vmem>>
      %dma_start3A_251 = tpu.memref_squeeze %dma_start3A_250 : memref<1x100x64xf32, #tpu.memory_space<vmem>> -> memref<100x64xf32, #tpu.memory_space<vmem>>
      %dma_start3A_252 = arith.constant 0 : i32
      %dma_start3A_253 = tpu.memref_slice %arg7[%add3A_246, %dma_start3A_252] : memref<256x100xi32, #tpu.memory_space<vmem>> -> memref<1x100xi32, #tpu.memory_space<vmem>>
      %dma_start3A_254 = tpu.memref_squeeze %dma_start3A_253 : memref<1x100xi32, #tpu.memory_space<vmem>> -> memref<100xi32, #tpu.memory_space<vmem>>
      %dma_start3A_255 = arith.constant 0 : i32
      %dma_start3A_256 = arith.constant 0 : i32
      %dma_start3A_257 = tpu.memref_slice %arg4[%dma_start3A_255, %dma_start3A_256] : memref<100000x64xf32, #tpu.memory_space<hbm>> -> memref<100000x64xf32, #tpu.memory_space<hbm>>
      tpu.enqueue_indirect_dma source(%dma_start3A_257 : memref<100000x64xf32, #tpu.memory_space<hbm>>) target(%dma_start3A_251 : memref<100x64xf32, #tpu.memory_space<vmem>>) offsets(%dma_start3A_254 : memref<100xi32, #tpu.memory_space<vmem>>) semaphore(%arg12 : memref<!tpu.dma_semaphore, #tpu.memory_space<semaphore_mem>>)
      %parallel_loop3A_258 = arith.constant 0 : i32
      %parallel_loop3A_259 = arith.constant 200 : i32
      %parallel_loop3A_260 = arith.constant 1 : i32
      scf.for %parallel_loop3A_388 = %parallel_loop3A_258 to %parallel_loop3A_259 step %parallel_loop3A_260  : i32 {
        %parallel_loop3A_389 = arith.index_cast %parallel_loop3A_388 : i32 to index
        %parallel_loop3A_390 = arith.constant 0 : index
        %parallel_loop3A_391 = tpu.vector_load %arg6[%parallel_loop3A_389, %parallel_loop3A_390] {strides = array<i32>} : memref<200x64xf32, #tpu.memory_space<vmem>>, vector<1x16xf32>,
        %parallel_loop3A_392 = vector.shape_cast %parallel_loop3A_391 : vector<1x16xf32> to vector<16xf32>
        %parallel_loop3A_393 = arith.constant 1 : i32
        %parallel_loop3A_394 = arith.index_cast %parallel_loop3A_393 : i32 to index
        %parallel_loop3A_395 = arith.index_cast %parallel_loop3A_388 : i32 to index
        %parallel_loop3A_396 = arith.constant 0 : index
        %parallel_loop3A_397 = tpu.vector_load %arg8[%parallel_loop3A_394, %parallel_loop3A_395, %parallel_loop3A_396] {strides = array<i32>} : memref<4x200x64xf32, #tpu.memory_space<vmem>>, vector<1x1x16xf32>,
        %parallel_loop3A_398 = vector.shape_cast %parallel_loop3A_397 : vector<1x1x16xf32> to vector<16xf32>
        %parallel_loop3A_399 = vector.shape_cast %parallel_loop3A_392 : vector<16xf32> to vector<1x1x16xf32>
        tpu.vector_store %arg8[%parallel_loop3A_394, %parallel_loop3A_395, %parallel_loop3A_396], %parallel_loop3A_399 {add = true, strides = array<i32>} : memref<4x200x64xf32, #tpu.memory_space<vmem>>, vector<1x1x16xf32>,
        %parallel_loop3A_400 = arith.index_cast %parallel_loop3A_388 : i32 to index
        %parallel_loop3A_401 = arith.constant 16 : index
        %parallel_loop3A_402 = tpu.vector_load %arg6[%parallel_loop3A_400, %parallel_loop3A_401] {strides = array<i32>} : memref<200x64xf32, #tpu.memory_space<vmem>>, vector<1x16xf32>,
        %parallel_loop3A_403 = vector.shape_cast %parallel_loop3A_402 : vector<1x16xf32> to vector<16xf32>
        %parallel_loop3A_404 = arith.constant 1 : i32
        %parallel_loop3A_405 = arith.index_cast %parallel_loop3A_404 : i32 to index
        %parallel_loop3A_406 = arith.index_cast %parallel_loop3A_388 : i32 to index
        %parallel_loop3A_407 = arith.constant 16 : index
        %parallel_loop3A_408 = tpu.vector_load %arg8[%parallel_loop3A_405, %parallel_loop3A_406, %parallel_loop3A_407] {strides = array<i32>} : memref<4x200x64xf32, #tpu.memory_space<vmem>>, vector<1x1x16xf32>,
        %parallel_loop3A_409 = vector.shape_cast %parallel_loop3A_408 : vector<1x1x16xf32> to vector<16xf32>
        %parallel_loop3A_410 = vector.shape_cast %parallel_loop3A_403 : vector<16xf32> to vector<1x1x16xf32>
        tpu.vector_store %arg8[%parallel_loop3A_405, %parallel_loop3A_406, %parallel_loop3A_407], %parallel_loop3A_410 {add = true, strides = array<i32>} : memref<4x200x64xf32, #tpu.memory_space<vmem>>, vector<1x1x16xf32>,
        %parallel_loop3A_411 = arith.index_cast %parallel_loop3A_388 : i32 to index
        %parallel_loop3A_412 = arith.constant 32 : index
        %parallel_loop3A_413 = tpu.vector_load %arg6[%parallel_loop3A_411, %parallel_loop3A_412] {strides = array<i32>} : memref<200x64xf32, #tpu.memory_space<vmem>>, vector<1x16xf32>,
        %parallel_loop3A_414 = vector.shape_cast %parallel_loop3A_413 : vector<1x16xf32> to vector<16xf32>
        %parallel_loop3A_415 = arith.constant 1 : i32
        %parallel_loop3A_416 = arith.index_cast %parallel_loop3A_415 : i32 to index
        %parallel_loop3A_417 = arith.index_cast %parallel_loop3A_388 : i32 to index
        %parallel_loop3A_418 = arith.constant 32 : index
        %parallel_loop3A_419 = tpu.vector_load %arg8[%parallel_loop3A_416, %parallel_loop3A_417, %parallel_loop3A_418] {strides = array<i32>} : memref<4x200x64xf32, #tpu.memory_space<vmem>>, vector<1x1x16xf32>,
        %parallel_loop3A_420 = vector.shape_cast %parallel_loop3A_419 : vector<1x1x16xf32> to vector<16xf32>
        %parallel_loop3A_421 = vector.shape_cast %parallel_loop3A_414 : vector<16xf32> to vector<1x1x16xf32>
        tpu.vector_store %arg8[%parallel_loop3A_416, %parallel_loop3A_417, %parallel_loop3A_418], %parallel_loop3A_421 {add = true, strides = array<i32>} : memref<4x200x64xf32, #tpu.memory_space<vmem>>, vector<1x1x16xf32>,
        %parallel_loop3A_422 = arith.index_cast %parallel_loop3A_388 : i32 to index
        %parallel_loop3A_423 = arith.constant 48 : index
        %parallel_loop3A_424 = tpu.vector_load %arg6[%parallel_loop3A_422, %parallel_loop3A_423] {strides = array<i32>} : memref<200x64xf32, #tpu.memory_space<vmem>>, vector<1x16xf32>,
        %parallel_loop3A_425 = vector.shape_cast %parallel_loop3A_424 : vector<1x16xf32> to vector<16xf32>
        %parallel_loop3A_426 = arith.constant 1 : i32
        %parallel_loop3A_427 = arith.index_cast %parallel_loop3A_426 : i32 to index
        %parallel_loop3A_428 = arith.index_cast %parallel_loop3A_388 : i32 to index
        %parallel_loop3A_429 = arith.constant 48 : index
        %parallel_loop3A_430 = tpu.vector_load %arg8[%parallel_loop3A_427, %parallel_loop3A_428, %parallel_loop3A_429] {strides = array<i32>} : memref<4x200x64xf32, #tpu.memory_space<vmem>>, vector<1x1x16xf32>,
        %parallel_loop3A_431 = vector.shape_cast %parallel_loop3A_430 : vector<1x1x16xf32> to vector<16xf32>
        %parallel_loop3A_432 = vector.shape_cast %parallel_loop3A_425 : vector<16xf32> to vector<1x1x16xf32>
        tpu.vector_store %arg8[%parallel_loop3A_427, %parallel_loop3A_428, %parallel_loop3A_429], %parallel_loop3A_432 {add = true, strides = array<i32>} : memref<4x200x64xf32, #tpu.memory_space<vmem>>, vector<1x1x16xf32>,
      } {sc.loop_unroll_factor = 4 : i64, sc.parallel_access}
      %mul3A_261 = arith.constant 200 : i32
      %mul3A_262 = arith.muli %add3A_194, %mul3A_261 : i32
      %add3A_263 = arith.addi %mul3A_4, %mul3A_262 : i32
      %dma_start3A_264 = arith.constant 1 : i32
      %dma_start3A_265 = arith.constant 0 : i32
      %dma_start3A_266 = arith.constant 0 : i32
      %dma_start3A_267 = tpu.memref_slice %arg8[%dma_start3A_264, %dma_start3A_265, %dma_start3A_266] : memref<4x200x64xf32, #tpu.memory_space<vmem>> -> memref<1x200x64xf32, #tpu.memory_space<vmem>>
      %dma_start3A_268 = tpu.memref_squeeze %dma_start3A_267 : memref<1x200x64xf32, #tpu.memory_space<vmem>> -> memref<200x64xf32, #tpu.memory_space<vmem>>
      %dma_start3A_269 = arith.constant 0 : i32
      %dma_start3A_270 = tpu.memref_slice %arg5[%add3A_263, %dma_start3A_269] : memref<819200x64xf32, #tpu.memory_space<hbm>> -> memref<200x64xf32, #tpu.memory_space<hbm>>
      %dma_start3A_271 = arith.constant 0 : i32
      %dma_start3A_272 = tpu.memref_slice %arg5[%add3A_263, %dma_start3A_271] : memref<819200x64xf32, #tpu.memory_space<hbm>> -> memref<200x64xf32, #tpu.memory_space<hbm>>
      %dma_start3A_273 = arith.constant 0 : i32
      %dma_start3A_274 = arith.constant 0 : i32
      %dma_start3A_275 = tpu.memref_slice %arg8[%dma_start3A_264, %dma_start3A_273, %dma_start3A_274] : memref<4x200x64xf32, #tpu.memory_space<vmem>> -> memref<1x200x64xf32, #tpu.memory_space<vmem>>
      %dma_start3A_276 = tpu.memref_squeeze %dma_start3A_275 : memref<1x200x64xf32, #tpu.memory_space<vmem>> -> memref<200x64xf32, #tpu.memory_space<vmem>>
      tpu.enqueue_dma source(%dma_start3A_276 : memref<200x64xf32, #tpu.memory_space<vmem>>) target(%dma_start3A_272 : memref<200x64xf32, #tpu.memory_space<hbm>>) target_semaphore(%arg14 : memref<!tpu.dma_semaphore, #tpu.memory_space<semaphore_mem>>)
      %mul3A_277 = arith.constant 4 : i32
      %mul3A_278 = arith.muli %mul3A_277, %scan3A_108 : i32
      %add3A_279 = arith.constant 2 : i32
      %add3A_280 = arith.addi %mul3A_278, %add3A_279 : i32
      %mul3A_281 = arith.constant 2 : i32
      %mul3A_282 = arith.muli %mul3A_281, %add3A_280 : i32
      %add3A_283 = arith.constant 0 : i32
      %add3A_284 = arith.addi %mul3A_282, %add3A_283 : i32
      %dma_wait3A_285 = arith.constant 2 : i32
      %dma_wait3A_286 = arith.constant 0 : i32
      %dma_wait3A_287 = arith.constant 0 : i32
      %dma_wait3A_288 = tpu.memref_slice %arg8[%dma_wait3A_285, %dma_wait3A_286, %dma_wait3A_287] : memref<4x200x64xf32, #tpu.memory_space<vmem>> -> memref<1x100x64xf32, #tpu.memory_space<vmem>>
      %dma_wait3A_289 = tpu.memref_squeeze %dma_wait3A_288 : memref<1x100x64xf32, #tpu.memory_space<vmem>> -> memref<100x64xf32, #tpu.memory_space<vmem>>
      %dma_wait3A_290 = arith.constant 0 : i32
      %dma_wait3A_291 = tpu.memref_slice %arg7[%add3A_284, %dma_wait3A_290] : memref<256x100xi32, #tpu.memory_space<vmem>> -> memref<1x100xi32, #tpu.memory_space<vmem>>
      %dma_wait3A_292 = tpu.memref_squeeze %dma_wait3A_291 : memref<1x100xi32, #tpu.memory_space<vmem>> -> memref<100xi32, #tpu.memory_space<vmem>>
      %dma_wait3A_293 = arith.constant 0 : i32
      %dma_wait3A_294 = arith.constant 0 : i32
      %dma_wait3A_295 = tpu.memref_slice %arg4[%dma_wait3A_293, %dma_wait3A_294] : memref<100000x64xf32, #tpu.memory_space<hbm>> -> memref<100000x64xf32, #tpu.memory_space<hbm>>
      tpu.wait_indirect_dma semaphore(%arg11 : memref<!tpu.dma_semaphore, #tpu.memory_space<semaphore_mem>>) src(%dma_wait3A_295 : memref<100000x64xf32, #tpu.memory_space<hbm>>) dst(%dma_wait3A_289 : memref<100x64xf32, #tpu.memory_space<vmem>>)
      %add3A_296 = arith.constant 1 : i32
      %add3A_297 = arith.addi %mul3A_282, %add3A_296 : i32
      %dma_wait3A_298 = arith.constant 2 : i32
      %dma_wait3A_299 = arith.constant 100 : i32
      %dma_wait3A_300 = arith.constant 0 : i32
      %dma_wait3A_301 = tpu.memref_slice %arg8[%dma_wait3A_298, %dma_wait3A_299, %dma_wait3A_300] : memref<4x200x64xf32, #tpu.memory_space<vmem>> -> memref<1x100x64xf32, #tpu.memory_space<vmem>>
      %dma_wait3A_302 = tpu.memref_squeeze %dma_wait3A_301 : memref<1x100x64xf32, #tpu.memory_space<vmem>> -> memref<100x64xf32, #tpu.memory_space<vmem>>
      %dma_wait3A_303 = arith.constant 0 : i32
      %dma_wait3A_304 = tpu.memref_slice %arg7[%add3A_297, %dma_wait3A_303] : memref<256x100xi32, #tpu.memory_space<vmem>> -> memref<1x100xi32, #tpu.memory_space<vmem>>
      %dma_wait3A_305 = tpu.memref_squeeze %dma_wait3A_304 : memref<1x100xi32, #tpu.memory_space<vmem>> -> memref<100xi32, #tpu.memory_space<vmem>>
      %dma_wait3A_306 = arith.constant 0 : i32
      %dma_wait3A_307 = arith.constant 0 : i32
      %dma_wait3A_308 = tpu.memref_slice %arg4[%dma_wait3A_306, %dma_wait3A_307] : memref<100000x64xf32, #tpu.memory_space<hbm>> -> memref<100000x64xf32, #tpu.memory_space<hbm>>
      tpu.wait_indirect_dma semaphore(%arg11 : memref<!tpu.dma_semaphore, #tpu.memory_space<semaphore_mem>>) src(%dma_wait3A_308 : memref<100000x64xf32, #tpu.memory_space<hbm>>) dst(%dma_wait3A_302 : memref<100x64xf32, #tpu.memory_space<vmem>>)
      %lt3A = arith.constant 31 : i32
      %lt3A_309 = arith.cmpi slt, %scan3A_108, %lt3A : i32
      %convert_element_type3A_310 = arith.extui %lt3A_309 : i1 to i32
      %cond3A_311 = arith.constant 0 : i32
      %cond3A_312 = arith.cmpi ne, %convert_element_type3A_310, %cond3A_311 : i32
      scf.if %cond3A_312 {
        %dma_wait3A_388 = arith.constant 0 : i32
        %dma_wait3A_389 = arith.constant 0 : i32
        %dma_wait3A_390 = arith.constant 0 : i32
        %dma_wait3A_391 = tpu.memref_slice %arg8[%dma_wait3A_388, %dma_wait3A_389, %dma_wait3A_390] : memref<4x200x64xf32, #tpu.memory_space<vmem>> -> memref<1x200x64xf32, #tpu.memory_space<vmem>>
        %dma_wait3A_392 = tpu.memref_squeeze %dma_wait3A_391 : memref<1x200x64xf32, #tpu.memory_space<vmem>> -> memref<200x64xf32, #tpu.memory_space<vmem>>
        %dma_wait3A_393 = arith.constant 0 : i32
        %dma_wait3A_394 = tpu.memref_slice %arg5[%mul3A_4, %dma_wait3A_393] : memref<819200x64xf32, #tpu.memory_space<hbm>> -> memref<200x64xf32, #tpu.memory_space<hbm>>
        %dma_wait3A_395 = arith.constant 0 : i32
        %dma_wait3A_396 = tpu.memref_slice %arg5[%mul3A_4, %dma_wait3A_395] : memref<819200x64xf32, #tpu.memory_space<hbm>> -> memref<200x64xf32, #tpu.memory_space<hbm>>
        %dma_wait3A_397 = arith.constant 0 : i32
        %dma_wait3A_398 = arith.constant 0 : i32
        %dma_wait3A_399 = tpu.memref_slice %arg8[%dma_wait3A_388, %dma_wait3A_397, %dma_wait3A_398] : memref<4x200x64xf32, #tpu.memory_space<vmem>> -> memref<1x200x64xf32, #tpu.memory_space<vmem>>
        %dma_wait3A_400 = tpu.memref_squeeze %dma_wait3A_399 : memref<1x200x64xf32, #tpu.memory_space<vmem>> -> memref<200x64xf32, #tpu.memory_space<vmem>>
        tpu.wait_dma2 semaphore(%arg13 : memref<!tpu.dma_semaphore, #tpu.memory_space<semaphore_mem>>) src(%dma_wait3A_400 : memref<200x64xf32, #tpu.memory_space<vmem>>) dst(%dma_wait3A_396 : memref<200x64xf32, #tpu.memory_space<hbm>>)
        %add3A_401 = arith.constant 2 : i32
        %add3A_402 = arith.addi %add3A_280, %add3A_401 : i32
        %mul3A_403 = arith.constant 2 : i32
        %mul3A_404 = arith.muli %mul3A_403, %add3A_402 : i32
        %add3A_405 = arith.constant 0 : i32
        %add3A_406 = arith.addi %mul3A_404, %add3A_405 : i32
        %dma_start3A_407 = arith.constant 0 : i32
        %dma_start3A_408 = arith.constant 0 : i32
        %dma_start3A_409 = arith.constant 0 : i32
        %dma_start3A_410 = tpu.memref_slice %arg8[%dma_start3A_407, %dma_start3A_408, %dma_start3A_409] : memref<4x200x64xf32, #tpu.memory_space<vmem>> -> memref<1x100x64xf32, #tpu.memory_space<vmem>>
        %dma_start3A_411 = tpu.memref_squeeze %dma_start3A_410 : memref<1x100x64xf32, #tpu.memory_space<vmem>> -> memref<100x64xf32, #tpu.memory_space<vmem>>
        %dma_start3A_412 = arith.constant 0 : i32
        %dma_start3A_413 = tpu.memref_slice %arg7[%add3A_406, %dma_start3A_412] : memref<256x100xi32, #tpu.memory_space<vmem>> -> memref<1x100xi32, #tpu.memory_space<vmem>>
        %dma_start3A_414 = tpu.memref_squeeze %dma_start3A_413 : memref<1x100xi32, #tpu.memory_space<vmem>> -> memref<100xi32, #tpu.memory_space<vmem>>
        %dma_start3A_415 = arith.constant 0 : i32
        %dma_start3A_416 = arith.constant 0 : i32
        %dma_start3A_417 = tpu.memref_slice %arg4[%dma_start3A_415, %dma_start3A_416] : memref<100000x64xf32, #tpu.memory_space<hbm>> -> memref<100000x64xf32, #tpu.memory_space<hbm>>
        tpu.enqueue_indirect_dma source(%dma_start3A_417 : memref<100000x64xf32, #tpu.memory_space<hbm>>) target(%dma_start3A_411 : memref<100x64xf32, #tpu.memory_space<vmem>>) offsets(%dma_start3A_414 : memref<100xi32, #tpu.memory_space<vmem>>) semaphore(%arg9 : memref<!tpu.dma_semaphore, #tpu.memory_space<semaphore_mem>>)
        %add3A_418 = arith.constant 1 : i32
        %add3A_419 = arith.addi %mul3A_404, %add3A_418 : i32
        %dma_start3A_420 = arith.constant 0 : i32
        %dma_start3A_421 = arith.constant 100 : i32
        %dma_start3A_422 = arith.constant 0 : i32
        %dma_start3A_423 = tpu.memref_slice %arg8[%dma_start3A_420, %dma_start3A_421, %dma_start3A_422] : memref<4x200x64xf32, #tpu.memory_space<vmem>> -> memref<1x100x64xf32, #tpu.memory_space<vmem>>
        %dma_start3A_424 = tpu.memref_squeeze %dma_start3A_423 : memref<1x100x64xf32, #tpu.memory_space<vmem>> -> memref<100x64xf32, #tpu.memory_space<vmem>>
        %dma_start3A_425 = arith.constant 0 : i32
        %dma_start3A_426 = tpu.memref_slice %arg7[%add3A_419, %dma_start3A_425] : memref<256x100xi32, #tpu.memory_space<vmem>> -> memref<1x100xi32, #tpu.memory_space<vmem>>
        %dma_start3A_427 = tpu.memref_squeeze %dma_start3A_426 : memref<1x100xi32, #tpu.memory_space<vmem>> -> memref<100xi32, #tpu.memory_space<vmem>>
        %dma_start3A_428 = arith.constant 0 : i32
        %dma_start3A_429 = arith.constant 0 : i32
        %dma_start3A_430 = tpu.memref_slice %arg4[%dma_start3A_428, %dma_start3A_429] : memref<100000x64xf32, #tpu.memory_space<hbm>> -> memref<100000x64xf32, #tpu.memory_space<hbm>>
        tpu.enqueue_indirect_dma source(%dma_start3A_430 : memref<100000x64xf32, #tpu.memory_space<hbm>>) target(%dma_start3A_424 : memref<100x64xf32, #tpu.memory_space<vmem>>) offsets(%dma_start3A_427 : memref<100xi32, #tpu.memory_space<vmem>>) semaphore(%arg9 : memref<!tpu.dma_semaphore, #tpu.memory_space<semaphore_mem>>)
      } else {
      }
      %parallel_loop3A_313 = arith.constant 0 : i32
      %parallel_loop3A_314 = arith.constant 200 : i32
      %parallel_loop3A_315 = arith.constant 1 : i32
      scf.for %parallel_loop3A_388 = %parallel_loop3A_313 to %parallel_loop3A_314 step %parallel_loop3A_315  : i32 {
        %parallel_loop3A_389 = arith.index_cast %parallel_loop3A_388 : i32 to index
        %parallel_loop3A_390 = arith.constant 0 : index
        %parallel_loop3A_391 = tpu.vector_load %arg6[%parallel_loop3A_389, %parallel_loop3A_390] {strides = array<i32>} : memref<200x64xf32, #tpu.memory_space<vmem>>, vector<1x16xf32>,
        %parallel_loop3A_392 = vector.shape_cast %parallel_loop3A_391 : vector<1x16xf32> to vector<16xf32>
        %parallel_loop3A_393 = arith.constant 2 : i32
        %parallel_loop3A_394 = arith.index_cast %parallel_loop3A_393 : i32 to index
        %parallel_loop3A_395 = arith.index_cast %parallel_loop3A_388 : i32 to index
        %parallel_loop3A_396 = arith.constant 0 : index
        %parallel_loop3A_397 = tpu.vector_load %arg8[%parallel_loop3A_394, %parallel_loop3A_395, %parallel_loop3A_396] {strides = array<i32>} : memref<4x200x64xf32, #tpu.memory_space<vmem>>, vector<1x1x16xf32>,
        %parallel_loop3A_398 = vector.shape_cast %parallel_loop3A_397 : vector<1x1x16xf32> to vector<16xf32>
        %parallel_loop3A_399 = vector.shape_cast %parallel_loop3A_392 : vector<16xf32> to vector<1x1x16xf32>
        tpu.vector_store %arg8[%parallel_loop3A_394, %parallel_loop3A_395, %parallel_loop3A_396], %parallel_loop3A_399 {add = true, strides = array<i32>} : memref<4x200x64xf32, #tpu.memory_space<vmem>>, vector<1x1x16xf32>,
        %parallel_loop3A_400 = arith.index_cast %parallel_loop3A_388 : i32 to index
        %parallel_loop3A_401 = arith.constant 16 : index
        %parallel_loop3A_402 = tpu.vector_load %arg6[%parallel_loop3A_400, %parallel_loop3A_401] {strides = array<i32>} : memref<200x64xf32, #tpu.memory_space<vmem>>, vector<1x16xf32>,
        %parallel_loop3A_403 = vector.shape_cast %parallel_loop3A_402 : vector<1x16xf32> to vector<16xf32>
        %parallel_loop3A_404 = arith.constant 2 : i32
        %parallel_loop3A_405 = arith.index_cast %parallel_loop3A_404 : i32 to index
        %parallel_loop3A_406 = arith.index_cast %parallel_loop3A_388 : i32 to index
        %parallel_loop3A_407 = arith.constant 16 : index
        %parallel_loop3A_408 = tpu.vector_load %arg8[%parallel_loop3A_405, %parallel_loop3A_406, %parallel_loop3A_407] {strides = array<i32>} : memref<4x200x64xf32, #tpu.memory_space<vmem>>, vector<1x1x16xf32>,
        %parallel_loop3A_409 = vector.shape_cast %parallel_loop3A_408 : vector<1x1x16xf32> to vector<16xf32>
        %parallel_loop3A_410 = vector.shape_cast %parallel_loop3A_403 : vector<16xf32> to vector<1x1x16xf32>
        tpu.vector_store %arg8[%parallel_loop3A_405, %parallel_loop3A_406, %parallel_loop3A_407], %parallel_loop3A_410 {add = true, strides = array<i32>} : memref<4x200x64xf32, #tpu.memory_space<vmem>>, vector<1x1x16xf32>,
        %parallel_loop3A_411 = arith.index_cast %parallel_loop3A_388 : i32 to index
        %parallel_loop3A_412 = arith.constant 32 : index
        %parallel_loop3A_413 = tpu.vector_load %arg6[%parallel_loop3A_411, %parallel_loop3A_412] {strides = array<i32>} : memref<200x64xf32, #tpu.memory_space<vmem>>, vector<1x16xf32>,
        %parallel_loop3A_414 = vector.shape_cast %parallel_loop3A_413 : vector<1x16xf32> to vector<16xf32>
        %parallel_loop3A_415 = arith.constant 2 : i32
        %parallel_loop3A_416 = arith.index_cast %parallel_loop3A_415 : i32 to index
        %parallel_loop3A_417 = arith.index_cast %parallel_loop3A_388 : i32 to index
        %parallel_loop3A_418 = arith.constant 32 : index
        %parallel_loop3A_419 = tpu.vector_load %arg8[%parallel_loop3A_416, %parallel_loop3A_417, %parallel_loop3A_418] {strides = array<i32>} : memref<4x200x64xf32, #tpu.memory_space<vmem>>, vector<1x1x16xf32>,
        %parallel_loop3A_420 = vector.shape_cast %parallel_loop3A_419 : vector<1x1x16xf32> to vector<16xf32>
        %parallel_loop3A_421 = vector.shape_cast %parallel_loop3A_414 : vector<16xf32> to vector<1x1x16xf32>
        tpu.vector_store %arg8[%parallel_loop3A_416, %parallel_loop3A_417, %parallel_loop3A_418], %parallel_loop3A_421 {add = true, strides = array<i32>} : memref<4x200x64xf32, #tpu.memory_space<vmem>>, vector<1x1x16xf32>,
        %parallel_loop3A_422 = arith.index_cast %parallel_loop3A_388 : i32 to index
        %parallel_loop3A_423 = arith.constant 48 : index
        %parallel_loop3A_424 = tpu.vector_load %arg6[%parallel_loop3A_422, %parallel_loop3A_423] {strides = array<i32>} : memref<200x64xf32, #tpu.memory_space<vmem>>, vector<1x16xf32>,
        %parallel_loop3A_425 = vector.shape_cast %parallel_loop3A_424 : vector<1x16xf32> to vector<16xf32>
        %parallel_loop3A_426 = arith.constant 2 : i32
        %parallel_loop3A_427 = arith.index_cast %parallel_loop3A_426 : i32 to index
        %parallel_loop3A_428 = arith.index_cast %parallel_loop3A_388 : i32 to index
        %parallel_loop3A_429 = arith.constant 48 : index
        %parallel_loop3A_430 = tpu.vector_load %arg8[%parallel_loop3A_427, %parallel_loop3A_428, %parallel_loop3A_429] {strides = array<i32>} : memref<4x200x64xf32, #tpu.memory_space<vmem>>, vector<1x1x16xf32>,
        %parallel_loop3A_431 = vector.shape_cast %parallel_loop3A_430 : vector<1x1x16xf32> to vector<16xf32>
        %parallel_loop3A_432 = vector.shape_cast %parallel_loop3A_425 : vector<16xf32> to vector<1x1x16xf32>
        tpu.vector_store %arg8[%parallel_loop3A_427, %parallel_loop3A_428, %parallel_loop3A_429], %parallel_loop3A_432 {add = true, strides = array<i32>} : memref<4x200x64xf32, #tpu.memory_space<vmem>>, vector<1x1x16xf32>,
      } {sc.loop_unroll_factor = 4 : i64, sc.parallel_access}
      %mul3A_316 = arith.constant 200 : i32
      %mul3A_317 = arith.muli %add3A_280, %mul3A_316 : i32
      %add3A_318 = arith.addi %mul3A_4, %mul3A_317 : i32
      %dma_start3A_319 = arith.constant 2 : i32
      %dma_start3A_320 = arith.constant 0 : i32
      %dma_start3A_321 = arith.constant 0 : i32
      %dma_start3A_322 = tpu.memref_slice %arg8[%dma_start3A_319, %dma_start3A_320, %dma_start3A_321] : memref<4x200x64xf32, #tpu.memory_space<vmem>> -> memref<1x200x64xf32, #tpu.memory_space<vmem>>
      %dma_start3A_323 = tpu.memref_squeeze %dma_start3A_322 : memref<1x200x64xf32, #tpu.memory_space<vmem>> -> memref<200x64xf32, #tpu.memory_space<vmem>>
      %dma_start3A_324 = arith.constant 0 : i32
      %dma_start3A_325 = tpu.memref_slice %arg5[%add3A_318, %dma_start3A_324] : memref<819200x64xf32, #tpu.memory_space<hbm>> -> memref<200x64xf32, #tpu.memory_space<hbm>>
      %dma_start3A_326 = arith.constant 0 : i32
      %dma_start3A_327 = tpu.memref_slice %arg5[%add3A_318, %dma_start3A_326] : memref<819200x64xf32, #tpu.memory_space<hbm>> -> memref<200x64xf32, #tpu.memory_space<hbm>>
      %dma_start3A_328 = arith.constant 0 : i32
      %dma_start3A_329 = arith.constant 0 : i32
      %dma_start3A_330 = tpu.memref_slice %arg8[%dma_start3A_319, %dma_start3A_328, %dma_start3A_329] : memref<4x200x64xf32, #tpu.memory_space<vmem>> -> memref<1x200x64xf32, #tpu.memory_space<vmem>>
      %dma_start3A_331 = tpu.memref_squeeze %dma_start3A_330 : memref<1x200x64xf32, #tpu.memory_space<vmem>> -> memref<200x64xf32, #tpu.memory_space<vmem>>
      tpu.enqueue_dma source(%dma_start3A_331 : memref<200x64xf32, #tpu.memory_space<vmem>>) target(%dma_start3A_327 : memref<200x64xf32, #tpu.memory_space<hbm>>) target_semaphore(%arg15 : memref<!tpu.dma_semaphore, #tpu.memory_space<semaphore_mem>>)
      %mul3A_332 = arith.constant 4 : i32
      %mul3A_333 = arith.muli %mul3A_332, %scan3A_108 : i32
      %add3A_334 = arith.constant 3 : i32
      %add3A_335 = arith.addi %mul3A_333, %add3A_334 : i32
      %mul3A_336 = arith.constant 2 : i32
      %mul3A_337 = arith.muli %mul3A_336, %add3A_335 : i32
      %add3A_338 = arith.constant 0 : i32
      %add3A_339 = arith.addi %mul3A_337, %add3A_338 : i32
      %dma_wait3A_340 = arith.constant 3 : i32
      %dma_wait3A_341 = arith.constant 0 : i32
      %dma_wait3A_342 = arith.constant 0 : i32
      %dma_wait3A_343 = tpu.memref_slice %arg8[%dma_wait3A_340, %dma_wait3A_341, %dma_wait3A_342] : memref<4x200x64xf32, #tpu.memory_space<vmem>> -> memref<1x100x64xf32, #tpu.memory_space<vmem>>
      %dma_wait3A_344 = tpu.memref_squeeze %dma_wait3A_343 : memref<1x100x64xf32, #tpu.memory_space<vmem>> -> memref<100x64xf32, #tpu.memory_space<vmem>>
      %dma_wait3A_345 = arith.constant 0 : i32
      %dma_wait3A_346 = tpu.memref_slice %arg7[%add3A_339, %dma_wait3A_345] : memref<256x100xi32, #tpu.memory_space<vmem>> -> memref<1x100xi32, #tpu.memory_space<vmem>>
      %dma_wait3A_347 = tpu.memref_squeeze %dma_wait3A_346 : memref<1x100xi32, #tpu.memory_space<vmem>> -> memref<100xi32, #tpu.memory_space<vmem>>
      %dma_wait3A_348 = arith.constant 0 : i32
      %dma_wait3A_349 = arith.constant 0 : i32
      %dma_wait3A_350 = tpu.memref_slice %arg4[%dma_wait3A_348, %dma_wait3A_349] : memref<100000x64xf32, #tpu.memory_space<hbm>> -> memref<100000x64xf32, #tpu.memory_space<hbm>>
      tpu.wait_indirect_dma semaphore(%arg12 : memref<!tpu.dma_semaphore, #tpu.memory_space<semaphore_mem>>) src(%dma_wait3A_350 : memref<100000x64xf32, #tpu.memory_space<hbm>>) dst(%dma_wait3A_344 : memref<100x64xf32, #tpu.memory_space<vmem>>)
      %add3A_351 = arith.constant 1 : i32
      %add3A_352 = arith.addi %mul3A_337, %add3A_351 : i32
      %dma_wait3A_353 = arith.constant 3 : i32
      %dma_wait3A_354 = arith.constant 100 : i32
      %dma_wait3A_355 = arith.constant 0 : i32
      %dma_wait3A_356 = tpu.memref_slice %arg8[%dma_wait3A_353, %dma_wait3A_354, %dma_wait3A_355] : memref<4x200x64xf32, #tpu.memory_space<vmem>> -> memref<1x100x64xf32, #tpu.memory_space<vmem>>
      %dma_wait3A_357 = tpu.memref_squeeze %dma_wait3A_356 : memref<1x100x64xf32, #tpu.memory_space<vmem>> -> memref<100x64xf32, #tpu.memory_space<vmem>>
      %dma_wait3A_358 = arith.constant 0 : i32
      %dma_wait3A_359 = tpu.memref_slice %arg7[%add3A_352, %dma_wait3A_358] : memref<256x100xi32, #tpu.memory_space<vmem>> -> memref<1x100xi32, #tpu.memory_space<vmem>>
      %dma_wait3A_360 = tpu.memref_squeeze %dma_wait3A_359 : memref<1x100xi32, #tpu.memory_space<vmem>> -> memref<100xi32, #tpu.memory_space<vmem>>
      %dma_wait3A_361 = arith.constant 0 : i32
      %dma_wait3A_362 = arith.constant 0 : i32
      %dma_wait3A_363 = tpu.memref_slice %arg4[%dma_wait3A_361, %dma_wait3A_362] : memref<100000x64xf32, #tpu.memory_space<hbm>> -> memref<100000x64xf32, #tpu.memory_space<hbm>>
      tpu.wait_indirect_dma semaphore(%arg12 : memref<!tpu.dma_semaphore, #tpu.memory_space<semaphore_mem>>) src(%dma_wait3A_363 : memref<100000x64xf32, #tpu.memory_space<hbm>>) dst(%dma_wait3A_357 : memref<100x64xf32, #tpu.memory_space<vmem>>)
      %lt3A_364 = arith.constant 31 : i32
      %lt3A_365 = arith.cmpi slt, %scan3A_108, %lt3A_364 : i32
      %convert_element_type3A_366 = arith.extui %lt3A_365 : i1 to i32
      %cond3A_367 = arith.constant 0 : i32
      %cond3A_368 = arith.cmpi ne, %convert_element_type3A_366, %cond3A_367 : i32
      scf.if %cond3A_368 {
        %dma_wait3A_388 = arith.constant 1 : i32
        %dma_wait3A_389 = arith.constant 0 : i32
        %dma_wait3A_390 = arith.constant 0 : i32
        %dma_wait3A_391 = tpu.memref_slice %arg8[%dma_wait3A_388, %dma_wait3A_389, %dma_wait3A_390] : memref<4x200x64xf32, #tpu.memory_space<vmem>> -> memref<1x200x64xf32, #tpu.memory_space<vmem>>
        %dma_wait3A_392 = tpu.memref_squeeze %dma_wait3A_391 : memref<1x200x64xf32, #tpu.memory_space<vmem>> -> memref<200x64xf32, #tpu.memory_space<vmem>>
        %dma_wait3A_393 = arith.constant 0 : i32
        %dma_wait3A_394 = tpu.memref_slice %arg5[%mul3A_4, %dma_wait3A_393] : memref<819200x64xf32, #tpu.memory_space<hbm>> -> memref<200x64xf32, #tpu.memory_space<hbm>>
        %dma_wait3A_395 = arith.constant 0 : i32
        %dma_wait3A_396 = tpu.memref_slice %arg5[%mul3A_4, %dma_wait3A_395] : memref<819200x64xf32, #tpu.memory_space<hbm>> -> memref<200x64xf32, #tpu.memory_space<hbm>>
        %dma_wait3A_397 = arith.constant 0 : i32
        %dma_wait3A_398 = arith.constant 0 : i32
        %dma_wait3A_399 = tpu.memref_slice %arg8[%dma_wait3A_388, %dma_wait3A_397, %dma_wait3A_398] : memref<4x200x64xf32, #tpu.memory_space<vmem>> -> memref<1x200x64xf32, #tpu.memory_space<vmem>>
        %dma_wait3A_400 = tpu.memref_squeeze %dma_wait3A_399 : memref<1x200x64xf32, #tpu.memory_space<vmem>> -> memref<200x64xf32, #tpu.memory_space<vmem>>
        tpu.wait_dma2 semaphore(%arg14 : memref<!tpu.dma_semaphore, #tpu.memory_space<semaphore_mem>>) src(%dma_wait3A_400 : memref<200x64xf32, #tpu.memory_space<vmem>>) dst(%dma_wait3A_396 : memref<200x64xf32, #tpu.memory_space<hbm>>)
        %add3A_401 = arith.constant 2 : i32
        %add3A_402 = arith.addi %add3A_335, %add3A_401 : i32
        %mul3A_403 = arith.constant 2 : i32
        %mul3A_404 = arith.muli %mul3A_403, %add3A_402 : i32
        %add3A_405 = arith.constant 0 : i32
        %add3A_406 = arith.addi %mul3A_404, %add3A_405 : i32
        %dma_start3A_407 = arith.constant 1 : i32
        %dma_start3A_408 = arith.constant 0 : i32
        %dma_start3A_409 = arith.constant 0 : i32
        %dma_start3A_410 = tpu.memref_slice %arg8[%dma_start3A_407, %dma_start3A_408, %dma_start3A_409] : memref<4x200x64xf32, #tpu.memory_space<vmem>> -> memref<1x100x64xf32, #tpu.memory_space<vmem>>
        %dma_start3A_411 = tpu.memref_squeeze %dma_start3A_410 : memref<1x100x64xf32, #tpu.memory_space<vmem>> -> memref<100x64xf32, #tpu.memory_space<vmem>>
        %dma_start3A_412 = arith.constant 0 : i32
        %dma_start3A_413 = tpu.memref_slice %arg7[%add3A_406, %dma_start3A_412] : memref<256x100xi32, #tpu.memory_space<vmem>> -> memref<1x100xi32, #tpu.memory_space<vmem>>
        %dma_start3A_414 = tpu.memref_squeeze %dma_start3A_413 : memref<1x100xi32, #tpu.memory_space<vmem>> -> memref<100xi32, #tpu.memory_space<vmem>>
        %dma_start3A_415 = arith.constant 0 : i32
        %dma_start3A_416 = arith.constant 0 : i32
        %dma_start3A_417 = tpu.memref_slice %arg4[%dma_start3A_415, %dma_start3A_416] : memref<100000x64xf32, #tpu.memory_space<hbm>> -> memref<100000x64xf32, #tpu.memory_space<hbm>>
        tpu.enqueue_indirect_dma source(%dma_start3A_417 : memref<100000x64xf32, #tpu.memory_space<hbm>>) target(%dma_start3A_411 : memref<100x64xf32, #tpu.memory_space<vmem>>) offsets(%dma_start3A_414 : memref<100xi32, #tpu.memory_space<vmem>>) semaphore(%arg10 : memref<!tpu.dma_semaphore, #tpu.memory_space<semaphore_mem>>)
        %add3A_418 = arith.constant 1 : i32
        %add3A_419 = arith.addi %mul3A_404, %add3A_418 : i32
        %dma_start3A_420 = arith.constant 1 : i32
        %dma_start3A_421 = arith.constant 100 : i32
        %dma_start3A_422 = arith.constant 0 : i32
        %dma_start3A_423 = tpu.memref_slice %arg8[%dma_start3A_420, %dma_start3A_421, %dma_start3A_422] : memref<4x200x64xf32, #tpu.memory_space<vmem>> -> memref<1x100x64xf32, #tpu.memory_space<vmem>>
        %dma_start3A_424 = tpu.memref_squeeze %dma_start3A_423 : memref<1x100x64xf32, #tpu.memory_space<vmem>> -> memref<100x64xf32, #tpu.memory_space<vmem>>
        %dma_start3A_425 = arith.constant 0 : i32
        %dma_start3A_426 = tpu.memref_slice %arg7[%add3A_419, %dma_start3A_425] : memref<256x100xi32, #tpu.memory_space<vmem>> -> memref<1x100xi32, #tpu.memory_space<vmem>>
        %dma_start3A_427 = tpu.memref_squeeze %dma_start3A_426 : memref<1x100xi32, #tpu.memory_space<vmem>> -> memref<100xi32, #tpu.memory_space<vmem>>
        %dma_start3A_428 = arith.constant 0 : i32
        %dma_start3A_429 = arith.constant 0 : i32
        %dma_start3A_430 = tpu.memref_slice %arg4[%dma_start3A_428, %dma_start3A_429] : memref<100000x64xf32, #tpu.memory_space<hbm>> -> memref<100000x64xf32, #tpu.memory_space<hbm>>
        tpu.enqueue_indirect_dma source(%dma_start3A_430 : memref<100000x64xf32, #tpu.memory_space<hbm>>) target(%dma_start3A_424 : memref<100x64xf32, #tpu.memory_space<vmem>>) offsets(%dma_start3A_427 : memref<100xi32, #tpu.memory_space<vmem>>) semaphore(%arg10 : memref<!tpu.dma_semaphore, #tpu.memory_space<semaphore_mem>>)
      } else {
      }
      %parallel_loop3A_369 = arith.constant 0 : i32
      %parallel_loop3A_370 = arith.constant 200 : i32
      %parallel_loop3A_371 = arith.constant 1 : i32
      scf.for %parallel_loop3A_388 = %parallel_loop3A_369 to %parallel_loop3A_370 step %parallel_loop3A_371  : i32 {
        %parallel_loop3A_389 = arith.index_cast %parallel_loop3A_388 : i32 to index
        %parallel_loop3A_390 = arith.constant 0 : index
        %parallel_loop3A_391 = tpu.vector_load %arg6[%parallel_loop3A_389, %parallel_loop3A_390] {strides = array<i32>} : memref<200x64xf32, #tpu.memory_space<vmem>>, vector<1x16xf32>,
        %parallel_loop3A_392 = vector.shape_cast %parallel_loop3A_391 : vector<1x16xf32> to vector<16xf32>
        %parallel_loop3A_393 = arith.constant 3 : i32
        %parallel_loop3A_394 = arith.index_cast %parallel_loop3A_393 : i32 to index
        %parallel_loop3A_395 = arith.index_cast %parallel_loop3A_388 : i32 to index
        %parallel_loop3A_396 = arith.constant 0 : index
        %parallel_loop3A_397 = tpu.vector_load %arg8[%parallel_loop3A_394, %parallel_loop3A_395, %parallel_loop3A_396] {strides = array<i32>} : memref<4x200x64xf32, #tpu.memory_space<vmem>>, vector<1x1x16xf32>,
        %parallel_loop3A_398 = vector.shape_cast %parallel_loop3A_397 : vector<1x1x16xf32> to vector<16xf32>
        %parallel_loop3A_399 = vector.shape_cast %parallel_loop3A_392 : vector<16xf32> to vector<1x1x16xf32>
        tpu.vector_store %arg8[%parallel_loop3A_394, %parallel_loop3A_395, %parallel_loop3A_396], %parallel_loop3A_399 {add = true, strides = array<i32>} : memref<4x200x64xf32, #tpu.memory_space<vmem>>, vector<1x1x16xf32>,
        %parallel_loop3A_400 = arith.index_cast %parallel_loop3A_388 : i32 to index
        %parallel_loop3A_401 = arith.constant 16 : index
        %parallel_loop3A_402 = tpu.vector_load %arg6[%parallel_loop3A_400, %parallel_loop3A_401] {strides = array<i32>} : memref<200x64xf32, #tpu.memory_space<vmem>>, vector<1x16xf32>,
        %parallel_loop3A_403 = vector.shape_cast %parallel_loop3A_402 : vector<1x16xf32> to vector<16xf32>
        %parallel_loop3A_404 = arith.constant 3 : i32
        %parallel_loop3A_405 = arith.index_cast %parallel_loop3A_404 : i32 to index
        %parallel_loop3A_406 = arith.index_cast %parallel_loop3A_388 : i32 to index
        %parallel_loop3A_407 = arith.constant 16 : index
        %parallel_loop3A_408 = tpu.vector_load %arg8[%parallel_loop3A_405, %parallel_loop3A_406, %parallel_loop3A_407] {strides = array<i32>} : memref<4x200x64xf32, #tpu.memory_space<vmem>>, vector<1x1x16xf32>,
        %parallel_loop3A_409 = vector.shape_cast %parallel_loop3A_408 : vector<1x1x16xf32> to vector<16xf32>
        %parallel_loop3A_410 = vector.shape_cast %parallel_loop3A_403 : vector<16xf32> to vector<1x1x16xf32>
        tpu.vector_store %arg8[%parallel_loop3A_405, %parallel_loop3A_406, %parallel_loop3A_407], %parallel_loop3A_410 {add = true, strides = array<i32>} : memref<4x200x64xf32, #tpu.memory_space<vmem>>, vector<1x1x16xf32>,
        %parallel_loop3A_411 = arith.index_cast %parallel_loop3A_388 : i32 to index
        %parallel_loop3A_412 = arith.constant 32 : index
        %parallel_loop3A_413 = tpu.vector_load %arg6[%parallel_loop3A_411, %parallel_loop3A_412] {strides = array<i32>} : memref<200x64xf32, #tpu.memory_space<vmem>>, vector<1x16xf32>,
        %parallel_loop3A_414 = vector.shape_cast %parallel_loop3A_413 : vector<1x16xf32> to vector<16xf32>
        %parallel_loop3A_415 = arith.constant 3 : i32
        %parallel_loop3A_416 = arith.index_cast %parallel_loop3A_415 : i32 to index
        %parallel_loop3A_417 = arith.index_cast %parallel_loop3A_388 : i32 to index
        %parallel_loop3A_418 = arith.constant 32 : index
        %parallel_loop3A_419 = tpu.vector_load %arg8[%parallel_loop3A_416, %parallel_loop3A_417, %parallel_loop3A_418] {strides = array<i32>} : memref<4x200x64xf32, #tpu.memory_space<vmem>>, vector<1x1x16xf32>,
        %parallel_loop3A_420 = vector.shape_cast %parallel_loop3A_419 : vector<1x1x16xf32> to vector<16xf32>
        %parallel_loop3A_421 = vector.shape_cast %parallel_loop3A_414 : vector<16xf32> to vector<1x1x16xf32>
        tpu.vector_store %arg8[%parallel_loop3A_416, %parallel_loop3A_417, %parallel_loop3A_418], %parallel_loop3A_421 {add = true, strides = array<i32>} : memref<4x200x64xf32, #tpu.memory_space<vmem>>, vector<1x1x16xf32>,
        %parallel_loop3A_422 = arith.index_cast %parallel_loop3A_388 : i32 to index
        %parallel_loop3A_423 = arith.constant 48 : index
        %parallel_loop3A_424 = tpu.vector_load %arg6[%parallel_loop3A_422, %parallel_loop3A_423] {strides = array<i32>} : memref<200x64xf32, #tpu.memory_space<vmem>>, vector<1x16xf32>,
        %parallel_loop3A_425 = vector.shape_cast %parallel_loop3A_424 : vector<1x16xf32> to vector<16xf32>
        %parallel_loop3A_426 = arith.constant 3 : i32
        %parallel_loop3A_427 = arith.index_cast %parallel_loop3A_426 : i32 to index
        %parallel_loop3A_428 = arith.index_cast %parallel_loop3A_388 : i32 to index
        %parallel_loop3A_429 = arith.constant 48 : index
        %parallel_loop3A_430 = tpu.vector_load %arg8[%parallel_loop3A_427, %parallel_loop3A_428, %parallel_loop3A_429] {strides = array<i32>} : memref<4x200x64xf32, #tpu.memory_space<vmem>>, vector<1x1x16xf32>,
        %parallel_loop3A_431 = vector.shape_cast %parallel_loop3A_430 : vector<1x1x16xf32> to vector<16xf32>
        %parallel_loop3A_432 = vector.shape_cast %parallel_loop3A_425 : vector<16xf32> to vector<1x1x16xf32>
        tpu.vector_store %arg8[%parallel_loop3A_427, %parallel_loop3A_428, %parallel_loop3A_429], %parallel_loop3A_432 {add = true, strides = array<i32>} : memref<4x200x64xf32, #tpu.memory_space<vmem>>, vector<1x1x16xf32>,
      } {sc.loop_unroll_factor = 4 : i64, sc.parallel_access}
      %mul3A_372 = arith.constant 200 : i32
      %mul3A_373 = arith.muli %add3A_335, %mul3A_372 : i32
      %add3A_374 = arith.addi %mul3A_4, %mul3A_373 : i32
      %dma_start3A_375 = arith.constant 3 : i32
      %dma_start3A_376 = arith.constant 0 : i32
      %dma_start3A_377 = arith.constant 0 : i32
      %dma_start3A_378 = tpu.memref_slice %arg8[%dma_start3A_375, %dma_start3A_376, %dma_start3A_377] : memref<4x200x64xf32, #tpu.memory_space<vmem>> -> memref<1x200x64xf32, #tpu.memory_space<vmem>>
      %dma_start3A_379 = tpu.memref_squeeze %dma_start3A_378 : memref<1x200x64xf32, #tpu.memory_space<vmem>> -> memref<200x64xf32, #tpu.memory_space<vmem>>
      %dma_start3A_380 = arith.constant 0 : i32
      %dma_start3A_381 = tpu.memref_slice %arg5[%add3A_374, %dma_start3A_380] : memref<819200x64xf32, #tpu.memory_space<hbm>> -> memref<200x64xf32, #tpu.memory_space<hbm>>
      %dma_start3A_382 = arith.constant 0 : i32
      %dma_start3A_383 = tpu.memref_slice %arg5[%add3A_374, %dma_start3A_382] : memref<819200x64xf32, #tpu.memory_space<hbm>> -> memref<200x64xf32, #tpu.memory_space<hbm>>
      %dma_start3A_384 = arith.constant 0 : i32
      %dma_start3A_385 = arith.constant 0 : i32
      %dma_start3A_386 = tpu.memref_slice %arg8[%dma_start3A_375, %dma_start3A_384, %dma_start3A_385] : memref<4x200x64xf32, #tpu.memory_space<vmem>> -> memref<1x200x64xf32, #tpu.memory_space<vmem>>
      %dma_start3A_387 = tpu.memref_squeeze %dma_start3A_386 : memref<1x200x64xf32, #tpu.memory_space<vmem>> -> memref<200x64xf32, #tpu.memory_space<vmem>>
      tpu.enqueue_dma source(%dma_start3A_387 : memref<200x64xf32, #tpu.memory_space<vmem>>) target(%dma_start3A_383 : memref<200x64xf32, #tpu.memory_space<hbm>>) target_semaphore(%arg16 : memref<!tpu.dma_semaphore, #tpu.memory_space<semaphore_mem>>)
    }
    %scan3A_56 = arith.constant 32 : i32
    %dma_wait3A = arith.constant 0 : i32
    %dma_wait3A_57 = arith.constant 0 : i32
    %dma_wait3A_58 = arith.constant 0 : i32
    %dma_wait3A_59 = tpu.memref_slice %arg8[%dma_wait3A, %dma_wait3A_57, %dma_wait3A_58] : memref<4x200x64xf32, #tpu.memory_space<vmem>> -> memref<1x200x64xf32, #tpu.memory_space<vmem>>
    %dma_wait3A_60 = tpu.memref_squeeze %dma_wait3A_59 : memref<1x200x64xf32, #tpu.memory_space<vmem>> -> memref<200x64xf32, #tpu.memory_space<vmem>>
    %dma_wait3A_61 = arith.constant 0 : i32
    %dma_wait3A_62 = tpu.memref_slice %arg5[%mul3A_4, %dma_wait3A_61] : memref<819200x64xf32, #tpu.memory_space<hbm>> -> memref<200x64xf32, #tpu.memory_space<hbm>>
    %dma_wait3A_63 = arith.constant 0 : i32
    %dma_wait3A_64 = tpu.memref_slice %arg5[%mul3A_4, %dma_wait3A_63] : memref<819200x64xf32, #tpu.memory_space<hbm>> -> memref<200x64xf32, #tpu.memory_space<hbm>>
    %dma_wait3A_65 = arith.constant 0 : i32
    %dma_wait3A_66 = arith.constant 0 : i32
    %dma_wait3A_67 = tpu.memref_slice %arg8[%dma_wait3A, %dma_wait3A_65, %dma_wait3A_66] : memref<4x200x64xf32, #tpu.memory_space<vmem>> -> memref<1x200x64xf32, #tpu.memory_space<vmem>>
    %dma_wait3A_68 = tpu.memref_squeeze %dma_wait3A_67 : memref<1x200x64xf32, #tpu.memory_space<vmem>> -> memref<200x64xf32, #tpu.memory_space<vmem>>
    tpu.wait_dma2 semaphore(%arg13 : memref<!tpu.dma_semaphore, #tpu.memory_space<semaphore_mem>>) src(%dma_wait3A_68 : memref<200x64xf32, #tpu.memory_space<vmem>>) dst(%dma_wait3A_64 : memref<200x64xf32, #tpu.memory_space<hbm>>)
    %dma_wait3A_69 = arith.constant 1 : i32
    %dma_wait3A_70 = arith.constant 0 : i32
    %dma_wait3A_71 = arith.constant 0 : i32
    %dma_wait3A_72 = tpu.memref_slice %arg8[%dma_wait3A_69, %dma_wait3A_70, %dma_wait3A_71] : memref<4x200x64xf32, #tpu.memory_space<vmem>> -> memref<1x200x64xf32, #tpu.memory_space<vmem>>
    %dma_wait3A_73 = tpu.memref_squeeze %dma_wait3A_72 : memref<1x200x64xf32, #tpu.memory_space<vmem>> -> memref<200x64xf32, #tpu.memory_space<vmem>>
    %dma_wait3A_74 = arith.constant 0 : i32
    %dma_wait3A_75 = tpu.memref_slice %arg5[%mul3A_4, %dma_wait3A_74] : memref<819200x64xf32, #tpu.memory_space<hbm>> -> memref<200x64xf32, #tpu.memory_space<hbm>>
    %dma_wait3A_76 = arith.constant 0 : i32
    %dma_wait3A_77 = tpu.memref_slice %arg5[%mul3A_4, %dma_wait3A_76] : memref<819200x64xf32, #tpu.memory_space<hbm>> -> memref<200x64xf32, #tpu.memory_space<hbm>>
    %dma_wait3A_78 = arith.constant 0 : i32
    %dma_wait3A_79 = arith.constant 0 : i32
    %dma_wait3A_80 = tpu.memref_slice %arg8[%dma_wait3A_69, %dma_wait3A_78, %dma_wait3A_79] : memref<4x200x64xf32, #tpu.memory_space<vmem>> -> memref<1x200x64xf32, #tpu.memory_space<vmem>>
    %dma_wait3A_81 = tpu.memref_squeeze %dma_wait3A_80 : memref<1x200x64xf32, #tpu.memory_space<vmem>> -> memref<200x64xf32, #tpu.memory_space<vmem>>
    tpu.wait_dma2 semaphore(%arg14 : memref<!tpu.dma_semaphore, #tpu.memory_space<semaphore_mem>>) src(%dma_wait3A_81 : memref<200x64xf32, #tpu.memory_space<vmem>>) dst(%dma_wait3A_77 : memref<200x64xf32, #tpu.memory_space<hbm>>)
    %dma_wait3A_82 = arith.constant 2 : i32
    %dma_wait3A_83 = arith.constant 0 : i32
    %dma_wait3A_84 = arith.constant 0 : i32
    %dma_wait3A_85 = tpu.memref_slice %arg8[%dma_wait3A_82, %dma_wait3A_83, %dma_wait3A_84] : memref<4x200x64xf32, #tpu.memory_space<vmem>> -> memref<1x200x64xf32, #tpu.memory_space<vmem>>
    %dma_wait3A_86 = tpu.memref_squeeze %dma_wait3A_85 : memref<1x200x64xf32, #tpu.memory_space<vmem>> -> memref<200x64xf32, #tpu.memory_space<vmem>>
    %dma_wait3A_87 = arith.constant 0 : i32
    %dma_wait3A_88 = tpu.memref_slice %arg5[%mul3A_4, %dma_wait3A_87] : memref<819200x64xf32, #tpu.memory_space<hbm>> -> memref<200x64xf32, #tpu.memory_space<hbm>>
    %dma_wait3A_89 = arith.constant 0 : i32
    %dma_wait3A_90 = tpu.memref_slice %arg5[%mul3A_4, %dma_wait3A_89] : memref<819200x64xf32, #tpu.memory_space<hbm>> -> memref<200x64xf32, #tpu.memory_space<hbm>>
    %dma_wait3A_91 = arith.constant 0 : i32
    %dma_wait3A_92 = arith.constant 0 : i32
    %dma_wait3A_93 = tpu.memref_slice %arg8[%dma_wait3A_82, %dma_wait3A_91, %dma_wait3A_92] : memref<4x200x64xf32, #tpu.memory_space<vmem>> -> memref<1x200x64xf32, #tpu.memory_space<vmem>>
    %dma_wait3A_94 = tpu.memref_squeeze %dma_wait3A_93 : memref<1x200x64xf32, #tpu.memory_space<vmem>> -> memref<200x64xf32, #tpu.memory_space<vmem>>
    tpu.wait_dma2 semaphore(%arg15 : memref<!tpu.dma_semaphore, #tpu.memory_space<semaphore_mem>>) src(%dma_wait3A_94 : memref<200x64xf32, #tpu.memory_space<vmem>>) dst(%dma_wait3A_90 : memref<200x64xf32, #tpu.memory_space<hbm>>)
    %dma_wait3A_95 = arith.constant 3 : i32
    %dma_wait3A_96 = arith.constant 0 : i32
    %dma_wait3A_97 = arith.constant 0 : i32
    %dma_wait3A_98 = tpu.memref_slice %arg8[%dma_wait3A_95, %dma_wait3A_96, %dma_wait3A_97] : memref<4x200x64xf32, #tpu.memory_space<vmem>> -> memref<1x200x64xf32, #tpu.memory_space<vmem>>
    %dma_wait3A_99 = tpu.memref_squeeze %dma_wait3A_98 : memref<1x200x64xf32, #tpu.memory_space<vmem>> -> memref<200x64xf32, #tpu.memory_space<vmem>>
    %dma_wait3A_100 = arith.constant 0 : i32
    %dma_wait3A_101 = tpu.memref_slice %arg5[%mul3A_4, %dma_wait3A_100] : memref<819200x64xf32, #tpu.memory_space<hbm>> -> memref<200x64xf32, #tpu.memory_space<hbm>>
    %dma_wait3A_102 = arith.constant 0 : i32
    %dma_wait3A_103 = tpu.memref_slice %arg5[%mul3A_4, %dma_wait3A_102] : memref<819200x64xf32, #tpu.memory_space<hbm>> -> memref<200x64xf32, #tpu.memory_space<hbm>>
    %dma_wait3A_104 = arith.constant 0 : i32
    %dma_wait3A_105 = arith.constant 0 : i32
    %dma_wait3A_106 = tpu.memref_slice %arg8[%dma_wait3A_95, %dma_wait3A_104, %dma_wait3A_105] : memref<4x200x64xf32, #tpu.memory_space<vmem>> -> memref<1x200x64xf32, #tpu.memory_space<vmem>>
    %dma_wait3A_107 = tpu.memref_squeeze %dma_wait3A_106 : memref<1x200x64xf32, #tpu.memory_space<vmem>> -> memref<200x64xf32, #tpu.memory_space<vmem>>
    tpu.wait_dma2 semaphore(%arg16 : memref<!tpu.dma_semaphore, #tpu.memory_space<semaphore_mem>>) src(%dma_wait3A_107 : memref<200x64xf32, #tpu.memory_space<vmem>>) dst(%dma_wait3A_103 : memref<200x64xf32, #tpu.memory_space<hbm>>)
    return
  }
}

</mosaic_0001>

<sc_bundles>
// kernel: kernel.3.cloned.1.call-start
scs
__scs_entry_jumppad:
0x0: {  	(pc) =	sbr.rel $0x88, $3  }
0x1: {  	(tag) =	ssettag $0x0;
	lr =	simm.s32 $0x1  }
0x2: {  	[smem:$0x3F9F] =	sst lr;
	_ =	strace $0xD0000000  }
0x3: {  	_ = 	snop  }
0x4: {  	_ = 	snop  }
0x5: {  	_ = 	snop  }
0x6: {  	_ = 	snop  }
0x7: {  	_ = 	snop  }
__scs_overlays_trampoline_lowered:
0x8: {  	[smem:$0x3FAE] =	sst s0  }
0x9: {  	[smem:$0x3FAF] =	sst s1  }
0xa: {  	[smem:$0x3FB0] =	sst s2  }
0xb: {  	[smem:$0x3FB1] =	sst s3  }
0xc: {  	[smem:$0x3FB2] =	sst s4  }
0xd: {  	[smem:$0x3FB3] =	sst s5  }
0xe: {  	[smem:$0x3FB4] =	sst s6  }
0xf: {  	[smem:$0x3FB5] =	sst s7  }
0x10: {  	[smem:$0x3FB6] =	sst s8  }
0x11: {  	[smem:$0x3FB7] =	sst s9;
	s0 =	simm.s32 @!p0 $0x0  }
0x12: {  	s1 =	sld [smem:$0x3F9D];
	s0 =	simm.s32 @p0 $0x1  }
0x13: {  	[smem:$0x3FB8] =	sst s0;
	s0 =	simm.s32 @!p1 $0x0  }
0x14: {  	s2 =	sld [smem:$0x3F9C];
	s0 =	simm.s32 @p1 $0x1  }
0x15: {  	[smem:$0x3FB9] =	sst s0;
	s0 =	simm.s32 @!p2 $0x0  }
0x16: {  	s3 =	sld [smem:$0x3FDB];
	s0 =	simm.s32 @p2 $0x1  }
0x17: {  	s4 =	simm.s32 $0x1BF5;
	[smem:$0x3FBB] =	sst s0  }
0x18: {  	s0 =	sld [smem:$0x3F9E];
	_ =	swait.ge [sflag:s4], $0x0  }
0x19: {  	s7 =	sld [smem:$0x3F9F]  }
0x1a: {  	s8 =	sadd.s32 $0xFFFFE003, lr  }
0x1b: {  	s9 =	sadd.s32 $0xFFFFFEF7, lr;
	s5 =	simm.s32 $0xFFFFFFFF;
	p2 =	slt.u32 s8, $0xFFFFF086  }
0x1c: {  	p1 =	slt.u32 s9, $0xF7A;
	s5 =	simm.s32 @!p2 $0x0  }
0x1d: {  	s5 =	simm.s32 @p1 $0x1;
	p0 =	seq.s32 s7, s2  }
0x1e: {  	s7 =	smul.u32 @!p0 $0xF7A, s2;
	p2 =	seq.s32 @!p0 s5, $0x0  }
0x1f: {  	s9 =	smul.u32 $0xF7A, s1;
	s8 =	simm.s32 @!p0 $0x1BF5;
	p2 =	por !p2, p0  }
0x20: {  	[sflag:s8] =	ssyncset.s32 @!p0 $0xFFFFF086;
	s6 =	sadd.s32 @!p0 s3, s7;
	s7 =	simm.s32 @!p0 $0x108  }
0x21: {  	s3 =	sadd.s32 s3, s9;
	s6 =	sadd.s32 @!p0 $0x88, s6;
	s7 =	simm.s32 @p2 $0x1082  }
0x22: {  	[simem:s7], [sflag:s8] =	dma.local @!p0 [hbm:s6], $0xF7A  }
0x23: {  	s9 =	sor.u32 $0xD0000000, s2;
	s6 =	simm.s32 $0x108;
	_ =	swait.ge @!p0 [sflag:s8], $0x0  }
0x24: {  	s3 =	sadd.s32 $0x88, s3;
	s6 =	simm.s32 @!p1 $0x1082;
	[sflag:s4] =	ssyncset.s32 $0xFFFFF086  }
0x25: {  	[simem:s6], [sflag:s4] =	dma.local [hbm:s3], $0xF7A  }
0x26: {  	[smem:$0x3F9F] =	sst s1;
	(tag) =	ssettag s2;
	_ =	strace s9  }
0x27: {  	s1 =	sld [smem:$0x3FAF]  }
0x28: {  	s2 =	sld [smem:$0x3FB0]  }
0x29: {  	s4 =	sld [smem:$0x3FB2]  }
0x2a: {  	p0 =	seq.s32 s5, $0x0;
	s5 =	sld [smem:$0x3FB3]  }
0x2b: {  	s6 =	sld [smem:$0x3FB4]  }
0x2c: {  	s7 =	sld [smem:$0x3FB5]  }
0x2d: {  	s3 =	simm.s32 $0x108;
	s8 =	sld [smem:$0x3FB6]  }
0x2e: {  	s3 =	simm.s32 @!p0 $0x1082;
	s9 =	sld [smem:$0x3FB7]  }
0x2f: {  	lr =	sadd.s32 s0, s3;
	s0 =	sld [smem:$0x3FAE]  }
0x30: {  	s3 =	sld [smem:$0x3FB1]  }
0x31: {  	[smem:$0x3FBA] =	sst s10  }
0x32: {  	s10 =	sld [smem:$0x3FB8];
	_ =	sdelay $0x3  }
0x33: {  	p0 =	seq.s32 s10, $0x1;
	s10 =	sld [smem:$0x3FBA];
	_ =	sdelay $0x3  }
0x34: {  	[smem:$0x3FBA] =	sst s10  }
0x35: {  	s10 =	sld [smem:$0x3FB9];
	_ =	sdelay $0x3  }
0x36: {  	p1 =	seq.s32 s10, $0x1;
	s10 =	sld [smem:$0x3FBA];
	_ =	sdelay $0x3  }
0x37: {  	[smem:$0x3FBA] =	sst s10  }
0x38: {  	s10 =	sld [smem:$0x3FBB]  }
0x39: {  	_ = 	snop;
	(pc) =	sbr.ind lr, $3  }
0x3a: {  	_ = 	snop  }
0x3b: {  	_ = 	snop  }
0x3c: {  	p2 =	seq.s32 s10, $0x1;
	s10 =	sld [smem:$0x3FBA]  }
0x3d: {  	_ =	shalt  }
0x3e: {  	_ =	shalt  }
0x3f: {  	_ =	shalt  }
0x40: {  	_ =	shalt  }
0x41: {  	_ =	shalt  }
0x42: {  	_ =	shalt  }
0x43: {  	_ =	shalt  }
0x44: {  	_ =	shalt  }
0x45: {  	_ =	shalt  }
0x46: {  	_ =	shalt  }
0x47: {  	_ =	shalt  }
0x48: {  	_ =	shalt  }
0x49: {  	_ =	shalt  }
0x4a: {  	_ =	shalt  }
0x4b: {  	_ =	shalt  }
0x4c: {  	_ =	shalt  }
0x4d: {  	_ =	shalt  }
0x4e: {  	_ =	shalt  }
0x4f: {  	_ =	shalt  }
0x50: {  	_ =	shalt  }
0x51: {  	_ =	shalt  }
0x52: {  	_ =	shalt  }
0x53: {  	_ =	shalt  }
0x54: {  	_ =	shalt  }
0x55: {  	_ =	shalt  }
0x56: {  	_ =	shalt  }
0x57: {  	_ =	shalt  }
0x58: {  	_ =	shalt  }
0x59: {  	_ =	shalt  }
0x5a: {  	_ =	shalt  }
0x5b: {  	_ =	shalt  }
0x5c: {  	_ =	shalt  }
0x5d: {  	_ =	shalt  }
0x5e: {  	_ =	shalt  }
0x5f: {  	_ =	shalt  }
0x60: {  	_ =	shalt  }
0x61: {  	_ =	shalt  }
0x62: {  	_ =	shalt  }
0x63: {  	_ =	shalt  }
0x64: {  	_ =	shalt  }
0x65: {  	_ =	shalt  }
0x66: {  	_ =	shalt  }
0x67: {  	_ =	shalt  }
0x68: {  	_ =	shalt  }
0x69: {  	_ =	shalt  }
0x6a: {  	_ =	shalt  }
0x6b: {  	_ =	shalt  }
0x6c: {  	_ =	shalt  }
0x6d: {  	_ =	shalt  }
0x6e: {  	_ =	shalt  }
0x6f: {  	_ =	shalt  }
0x70: {  	_ =	shalt  }
0x71: {  	_ =	shalt  }
0x72: {  	_ =	shalt  }
0x73: {  	_ =	shalt  }
0x74: {  	_ =	shalt  }
0x75: {  	_ =	shalt  }
0x76: {  	_ =	shalt  }
0x77: {  	_ =	shalt  }
0x78: {  	_ =	shalt  }
0x79: {  	_ =	shalt  }
0x7a: {  	_ =	shalt  }
0x7b: {  	_ =	shalt  }
0x7c: {  	_ =	shalt  }
0x7d: {  	_ =	shalt  }
0x7e: {  	_ =	shalt  }
0x7f: {  	_ =	shalt  }
0x80: {  	_ =	shalt  }
0x81: {  	_ =	shalt  }
0x82: {  	_ =	shalt  }
0x83: {  	_ =	shalt  }
0x84: {  	_ =	shalt  }
0x85: {  	_ =	shalt  }
0x86: {  	_ =	shalt  }
0x87: {  	_ =	shalt  }
.Lfunc_end0:
.L_simem_size_0:
called_computation.1_lowered:
.L_overlay_start_0:
0x88: {  	s2 =	sld [smem:$0x3FD9]  }
0x89: {  	s3 =	sld [smem:$0x3FFE];
	_ =	sdelay $0x1  }
0x8a: {  	s1 =	srdreg.scid  }
0x8b: {  	s0 =	sand.u32 $0x1, s1  }
0x8c: {  	s17 =	sshll.u32 s0, $0xA;
	s2 =	sadd.s32 s3, s2  }
0x8d: {  	s2 =	sadd.s32 s2, s17  }
0x8e: {  	[smem:$0x3FC6] =	sst s2  }
0x8f: {  	_ = 	snop  }
0x90: {  	s2 =	sld [smem:$0x3FD0];
	(tm) =	ssettm $0x1  }
0x91: {  	s18 =	sld [smem:$0x3FFB];
	_ =	sdelay $0x3  }
0x92: {  	_ =	strace s18  }
0x93: {  	s3 =	sld [smem:$0x3FFC];
	_ =	sdelay $0x3  }
0x94: {  	_ =	strace s3  }
0x95: {  	s3 =	sld [smem:$0x3FFD];
	_ =	sdelay $0x3  }
0x96: {  	_ =	strace s3  }
0x97: {  	_ =	strace $0x8FFFFFFF  }
0x98: {  	s19 =	sld [smem:$0x3FDB];
	_ =	sdelay $0x1  }
0x99: {  	s4 =	simm.s32 $_scs_section_size  }
0x9a: {  	s5 =	simm.s32 $_size__tile_overlayer_lowered;
	s6 =	simm.s32 $_tile_overlayer_lowered  }
0x9b: {  	s22 =	simm.s32 $0x1BFF;
	s21 =	sshll.u32 s6, $0x1;
	s3 =	sadd.s32 s4, s19  }
0x9c: {  	s7 =	simm.s32 $0x0;
	s20 =	sshll.u32 s5, $0x1;
	s5 =	sadd.s32 s21, s3  }
0x9d: {  	[timem:s7], [sflag:s22] =	dma.local [hbm:s5], s20  }
0x9e: {  	_ =	swait.ge [sflag:s22], s20  }
0x9f: {  	s4 =	ssub.s32 $0x0, s20;
	[sflag:s22] =	ssyncset.done $0x0  }
0xa0: {  	[sflag:s22] =	ssyncadd.s32 s4;
	_ =	sdelay $0x1  }
0xa1: {  	s23 =	simm.s32 $0x1B8B  }
0xa2: {  	_ =	swait.ge [sflag:s23], $0x1  }
0xa3: {  	[sflag:s23] =	ssyncset.done $0x0  }
0xa4: {  	s25 =	simm.s32 $0x1B8E;
	s24 =	sld [smem:$0x3FFE];
	[sflag:s23] =	ssyncadd.s32 $0xFFFFFFFF  }
0xa5: {  	s26 =	simm.s32 $execute0_lowered;
	[smem:$0x3FD2] =	sst s25  }
0xa6: {  	s5 =	sshll.u32 s26, $0x1;
	_ =	strace $0x80000046;
	[dreg:$0x1] =	wrdreg $0xFFFFFFFF  }
0xa7: {  	s28 =	simm.s32 $_size_execute0_lowered;
	s3 =	sadd.s32 s3, s5;
	[dreg:$0x0] =	wrdreg $0x0  }
0xa8: {  	s5 =	sshll.u32 s28, $0x1;
	[dreg:$0x2] =	wrdreg s3  }
0xa9: {  	[dreg:$0x3] =	wrdreg s5  }
0xaa: {  	[dreg:$0x4] =	wrdreg $0xC0  }
0xab: {  	_ =	task [dreg:s7], $0x5FFFF  }
0xac: {  	[dreg:$0x1] =	wrdreg $0xFFFFFFFF  }
0xad: {  	[dreg:$0x0] =	wrdreg $0x60  }
0xae: {  	[dreg:$0x2] =	wrdreg s24  }
0xaf: {  	[dreg:$0x3] =	wrdreg s2  }
0xb0: {  	[dreg:$0x4] =	wrdreg $0x9  }
0xb1: {  	_ =	task.clear_ibuf [dreg:s7], $0x5FFFF;
	_ =	strace $0x90000046  }
0xb2: {  	s29 =	simm.s32 $0x9;
	_ =	strace $0x80000048  }
0xb3: {  	_ =	swait.ge [sflag:s29], $0x1  }
0xb4: {  	[sflag:s29] =	ssyncadd.s32 $0xFFFFFFFF  }
0xb5: {  	_ =	strace $0x90000048  }
0xb6: {  	_ =	sfence  }
0xb7: {  	s30 =	sld [smem:$0x0];
	_ =	sdelay $0x2  }
0xb8: {  	s31 =	sshll.u32 s1, $0xD;
	s1 =	sshrl.u32 s1, $0x2  }
0xb9: {  	s3 =	sand.u32 $0x4000, s31;
	s1 =	sadd.s32 s1, s30  }
0xba: {  	s0 =	sor.u32 s3, s0;
	s1 =	sshll.u32 s1, $0x11  }
0xbb: {  	s0 =	sor.u32 s1, s0  }
0xbc: {  	s0 =	sadd.s32 $0x8F2B, s0  }
0xbd: {  	[sflag:s0] =	ssyncadd.remote.s32 $0x1  }
0xbe: {  	_ =	sfence.sel $0xFFFF  }
0xbf: {  	[dreg:$0x0] =	wrdreg $0xFFFFFFFF;
	(pc) =	sbr.abs _section_cstart, $3  }
0xc0: {  	[dreg:$0x1] =	wrdreg $0xFFFFFFFF  }
0xc1: {  	_ =	task.clear_ibuf [dreg:s7], $0x2FFFF;
	_ =	strace $0x9FFFFFFF  }
0xc2: {  	(tm) =	ssettm $0x7FFFFFFF  }
0xc3: {  	_ =	shalt  }
tec
execute0_lowered:
.L_overlay_start_1:
0x0: {  	(tag) =	ssettag $0x1  }
0x1: {  	s0 =	rddreg [dreg:$0x0]  }
0x2: {  	s1 =	srdreg.scid;
	s3 =	stileid.u32  }
0x3: {  	s2 =	rddreg [dreg:$0x1];
	s10 =	simm.s32 $0x9;
	s12 =	simm.s32 $0x64  }
0x4: {  	s13 =	simm.s32 $0x9A00;
	s17 =	simm.s32 $0xCC00;
	s20 =	simm.s32 $0x1  }
0x5: {  	s21 =	simm.s32 $0xFE00;
	s22 =	simm.s32 $0x11700;
	s23 =	simm.s32 $0x2  }
0x6: {  	s24 =	simm.s32 $0x13000;
	s25 =	simm.s32 $0x14900;
	s28 =	simm.s32 $0x4  }
0x7: {  	s29 =	simm.s32 $0x5;
	s30 =	simm.s32 $0x6;
	s31 =	simm.s32 $0x7  }
0x8: {  	s1 =	sand.u32 $0x1, s1;
	s4 =	sshll.u32 s3, $0x1;
	s3 =	simm.s32 $0x0  }
0x9: {  	s6 =	sadd.s32 $0x400, s0;
	s4 =	sor.u32 s1, s4;
	[smem:$0x7FF] =	sst s3  }
0xa: {  	s1 =	ssub.s32 $0x2, s1;
	s5 =	smul.u32 $0xD00, s4;
	_ =	strace $0x80000047  }
0xb: {  	s4 =	smul.u32 $0x6400, s4;
	[dreg:$0x3] =	wrdreg s6;
	s26 =	sshrl.u32 s1, $0x1  }
0xc: {  	s6 =	sadd.s32 $0x1AC00, s0;
	s5 =	sadd.s32 s5, s0;
	s0 =	ssub.s32 s1, s26  }
0xd: {  	s8 =	sor.u32 $0xC8, s4;
	s26 =	simm.s32 $0x3;
	s1 =	simm.s32 $0x8  }
0xe: {  	s7 =	sadd.s32 $0xC00, s5;
	s9 =	smax.u32 s0, $0x1;
	s0 =	simm.s32 $0x0  }
.LBB2_1:
0xf: {  	s5 =	rddreg [dreg:$0x3]  }
0x10: {  	[tilespmem:s3], [sflag:$0x9] =	stream.linear.gather [hbm4b:s5+s3], $0x3200, $0x38;
	[tilespmem:$0x16200] =	vst v63  }
0x11: {  	_ =	swait.ge [sflag:s10], $0x3200  }
0x12: {  	[sflag:s10] =	ssyncset.done $0x0  }
0x13: {  	s14 =	simm.s32 $0x3200;
	[sflag:s10] =	ssyncadd.s32 $0xFFFFCE00  }
0x14: {  	[tilespmem:s14], [sflag:$0x9] =	stream.linear.gather [hbm4b:s7+s3], $0x6800, $0x38;
	[tilespmem:$0x16200] =	vst v63  }
0x15: {  	_ =	swait.ge [sflag:s10], $0x6800  }
0x16: {  	[sflag:s10] =	ssyncset.done $0x0  }
0x17: {  	[sflag:s10] =	ssyncadd.s32 $0xFFFF9800  }
0x18: {  	[tilespmem:s13], [sflag:$0x1] =	stream.indirect.gather [hbm4b:s6+s12], $0x40, s14, s12, $0xb8;
	[tilespmem:$0x16200] =	vst v63  }
0x19: {  	s15 =	simm.s32 $0x3268;
	s11 =	simm.s32 $0xB300  }
0x1a: {  	[tilespmem:s11], [sflag:$0x1] =	stream.indirect.gather [hbm4b:s6+s12], $0x40, s15, s12, $0xb8;
	[tilespmem:$0x16200] =	vst v63  }
0x1b: {  	s16 =	simm.s32 $0x32D0  }
0x1c: {  	[tilespmem:s17], [sflag:$0x2] =	stream.indirect.gather [hbm4b:s6+s12], $0x40, s16, s12, $0xb8;
	[tilespmem:$0x16200] =	vst v63  }
0x1d: {  	s18 =	simm.s32 $0x3338;
	s19 =	simm.s32 $0xE500;
	s14 =	simm.s32 $0x0  }
0x1e: {  	[tilespmem:s19], [sflag:$0x2] =	stream.indirect.gather [hbm4b:s6+s12], $0x40, s18, s12, $0xb8;
	[tilespmem:$0x16200] =	vst v63  }
.LBB2_2:
0x1f: {  	_ =	swait.ge [sflag:s20], $0x1900  }
0x20: {  	[sflag:s20] =	ssyncset.done $0x0  }
0x21: {  	[sflag:s20] =	ssyncadd.s32 $0xFFFFE700  }
0x22: {  	s15 =	sshll.u32 s14, $0x2;
	_ =	swait.ge [sflag:s20], $0x1900  }
0x23: {  	p0 =	seq.s32 s14, $0x0;
	s16 =	sor.u32 $0x2, s15;
	[sflag:s20] =	ssyncset.done $0x0  }
0x24: {  	s5 =	simm.s32 @!p0 $0x7;
	s11 =	smul.u32 $0x340, s16;
	[sflag:s20] =	ssyncadd.s32 $0xFFFFE700  }
0x25: {  	_ =	swait.ge @!p0 [sflag:s5], $0x3200  }
0x26: {  	s11 =	sshra.s32 s11, $0x2;
	[sflag:s5] =	ssyncset.done @!p0 $0x0  }
0x27: {  	s18 =	sadd.s32 $0x3200, s11;
	[sflag:s5] =	ssyncadd.s32 @!p0 $0xFFFFCE00  }
0x28: {  	[tilespmem:s21], [sflag:$0x3] =	stream.indirect.gather [hbm4b:s6+s12], $0x40, s18, s12, $0xb8;
	[tilespmem:$0x16200] =	vst v63  }
0x29: {  	s19 =	sadd.s32 $0x3268, s11  }
0x2a: {  	[tilespmem:s22], [sflag:$0x3] =	stream.indirect.gather [hbm4b:s6+s12], $0x40, s19, s12, $0xb8;
	[tilespmem:$0x16200] =	vst v63  }
0x2b: {  	s19 =	simm.s32 $0x0  }
0x2c: {  	v0 =	vld [tilespmem:s19+$0xF0]  }
0x2d: {  	v1 =	vld [tilespmem:s19+$0x0]  }
0x2e: {  	v2 =	vld [tilespmem:s19+$0x10]  }
0x2f: {  	v3 =	vld [tilespmem:s19+$0x20]  }
0x30: {  	v4 =	vld [tilespmem:s19+$0x30]  }
0x31: {  	v5 =	vld [tilespmem:s19+$0x40]  }
0x32: {  	v6 =	vld [tilespmem:s19+$0x50]  }
0x33: {  	v7 =	vld [tilespmem:s19+$0x60]  }
0x34: {  	v8 =	vld [tilespmem:s19+$0x70]  }
0x35: {  	v9 =	vld [tilespmem:s19+$0x80]  }
0x36: {  	v10 =	vld [tilespmem:s19+$0x90]  }
0x37: {  	v11 =	vld [tilespmem:s19+$0xA0]  }
0x38: {  	v12 =	vld [tilespmem:s19+$0xB0]  }
0x39: {  	v13 =	vld [tilespmem:s19+$0xC0]  }
0x3a: {  	v14 =	vld [tilespmem:s19+$0xD0]  }
0x3b: {  	[tilespmem:s19+$0x9AF0] =	vst.add.f32.msk $0xffff, v0  }
0x3c: {  	v0 =	vld [tilespmem:s19+$0xE0]  }
0x3d: {  	[tilespmem:s19+$0x9A00] =	vst.add.f32.msk $0xffff, v1  }
0x3e: {  	[tilespmem:s19+$0x9A10] =	vst.add.f32.msk $0xffff, v2  }
0x3f: {  	[tilespmem:s19+$0x9A20] =	vst.add.f32.msk $0xffff, v3  }
0x40: {  	[tilespmem:s19+$0x9A30] =	vst.add.f32.msk $0xffff, v4  }
0x41: {  	[tilespmem:s19+$0x9A40] =	vst.add.f32.msk $0xffff, v5  }
0x42: {  	[tilespmem:s19+$0x9A50] =	vst.add.f32.msk $0xffff, v6  }
0x43: {  	[tilespmem:s19+$0x9A60] =	vst.add.f32.msk $0xffff, v7  }
0x44: {  	[tilespmem:s19+$0x9A70] =	vst.add.f32.msk $0xffff, v8  }
0x45: {  	[tilespmem:s19+$0x9A80] =	vst.add.f32.msk $0xffff, v9  }
0x46: {  	[tilespmem:s19+$0x9A90] =	vst.add.f32.msk $0xffff, v10  }
0x47: {  	[tilespmem:s19+$0x9AA0] =	vst.add.f32.msk $0xffff, v11  }
0x48: {  	[tilespmem:s19+$0x9AB0] =	vst.add.f32.msk $0xffff, v12  }
0x49: {  	[tilespmem:s19+$0x9AC0] =	vst.add.f32.msk $0xffff, v13  }
0x4a: {  	s11 =	simm.s32 $0x400;
	s18 =	simm.s32 $0x0;
	[tilespmem:s19+$0x9AD0] =	vst.add.f32.msk $0xffff, v14  }
.LBB2_3:
0x4b: {  	s18 =	sadd.s32 $0x4, s18;
	[tilespmem:s19+$0x9AE0] =	vst.add.f32.msk $0xffff, v0;
	s19 =	sshra.s32 s11, $0x2  }
0x4c: {  	v0 =	vld [tilespmem:s19+$0xF0];
	p1 =	slt.u32 s18, $0xC4  }
0x4d: {  	v1 =	vld [tilespmem:s19+$0x0]  }
0x4e: {  	v2 =	vld [tilespmem:s19+$0x10]  }
0x4f: {  	v3 =	vld [tilespmem:s19+$0x20]  }
0x50: {  	v4 =	vld [tilespmem:s19+$0x30]  }
0x51: {  	[tilespmem:s19+$0x9AF0] =	vst.add.f32.msk $0xffff, v0  }
0x52: {  	v5 =	vld [tilespmem:s19+$0x40]  }
0x53: {  	v6 =	vld [tilespmem:s19+$0x50]  }
0x54: {  	v7 =	vld [tilespmem:s19+$0x60]  }
0x55: {  	v8 =	vld [tilespmem:s19+$0x70]  }
0x56: {  	v9 =	vld [tilespmem:s19+$0x80]  }
0x57: {  	v10 =	vld [tilespmem:s19+$0x90]  }
0x58: {  	v11 =	vld [tilespmem:s19+$0xA0]  }
0x59: {  	v12 =	vld [tilespmem:s19+$0xB0]  }
0x5a: {  	v13 =	vld [tilespmem:s19+$0xC0]  }
0x5b: {  	v14 =	vld [tilespmem:s19+$0xD0]  }
0x5c: {  	v0 =	vld [tilespmem:s19+$0xE0]  }
0x5d: {  	[tilespmem:s19+$0x9A00] =	vst.add.f32.msk $0xffff, v1  }
0x5e: {  	[tilespmem:s19+$0x9A10] =	vst.add.f32.msk $0xffff, v2  }
0x5f: {  	[tilespmem:s19+$0x9A20] =	vst.add.f32.msk $0xffff, v3  }
0x60: {  	[tilespmem:s19+$0x9A30] =	vst.add.f32.msk $0xffff, v4  }
0x61: {  	[tilespmem:s19+$0x9A40] =	vst.add.f32.msk $0xffff, v5  }
0x62: {  	[tilespmem:s19+$0x9A50] =	vst.add.f32.msk $0xffff, v6  }
0x63: {  	[tilespmem:s19+$0x9A60] =	vst.add.f32.msk $0xffff, v7  }
0x64: {  	[tilespmem:s19+$0x9A70] =	vst.add.f32.msk $0xffff, v8  }
0x65: {  	[tilespmem:s19+$0x9A80] =	vst.add.f32.msk $0xffff, v9  }
.Ltmp0:
0x66: {  	[tilespmem:s19+$0x9A90] =	vst.add.f32.msk $0xffff, v10;
	(pc) =	sbr.rel @p1 .LBB2_3-.Ltmp0, $4  }
0x67: {  	[tilespmem:s19+$0x9AA0] =	vst.add.f32.msk $0xffff, v11  }
0x68: {  	[tilespmem:s19+$0x9AB0] =	vst.add.f32.msk $0xffff, v12  }
0x69: {  	[tilespmem:s19+$0x9AC0] =	vst.add.f32.msk $0xffff, v13  }
0x6a: {  	s11 =	sadd.s32 $0x400, s11;
	[tilespmem:s19+$0x9AD0] =	vst.add.f32.msk $0xffff, v14  }
0x6b: {  	s18 =	smul.u32 $0x320, s14;
	_ =	sdelay $0x1  }
0x6c: {  	s5 =	sadd.s32 s4, s18  }
0x6d: {  	s5 =	sshll.u32 s5, $0x3  }
0x6e: {  	[tilespmem:s19+$0x9AE0] =	vst.add.f32.msk $0xffff, v0;
	s5 =	sadd.s32 s2, s5  }
0x6f: {  	[hbm4b:s5+s3] =	stream.linear.scatter [tilespmem:s13], [sflag:$0x5], $0x3200, $0x38;
	[tilespmem:$0x16200] =	vst v63  }
0x70: {  	_ =	swait.ge [sflag:s23], $0x1900  }
0x71: {  	[sflag:s23] =	ssyncset.done $0x0  }
0x72: {  	[sflag:s23] =	ssyncadd.s32 $0xFFFFE700  }
0x73: {  	_ =	swait.ge [sflag:s23], $0x1900  }
0x74: {  	s15 =	sor.u32 $0x3, s15;
	[sflag:s23] =	ssyncset.done $0x0  }
0x75: {  	s11 =	smul.u32 $0x340, s15;
	s5 =	simm.s32 @!p0 $0x8;
	[sflag:s23] =	ssyncadd.s32 $0xFFFFE700  }
0x76: {  	_ =	swait.ge @!p0 [sflag:s5], $0x3200  }
0x77: {  	s11 =	sshra.s32 s11, $0x2;
	[sflag:s5] =	ssyncset.done @!p0 $0x0  }
0x78: {  	s19 =	sadd.s32 $0x3200, s11;
	[sflag:s5] =	ssyncadd.s32 @!p0 $0xFFFFCE00  }
0x79: {  	[tilespmem:s24], [sflag:$0x4] =	stream.indirect.gather [hbm4b:s6+s12], $0x40, s19, s12, $0xb8;
	[tilespmem:$0x16200] =	vst v63  }
0x7a: {  	s19 =	sadd.s32 $0x3268, s11  }
0x7b: {  	[tilespmem:s25], [sflag:$0x4] =	stream.indirect.gather [hbm4b:s6+s12], $0x40, s19, s12, $0xb8;
	[tilespmem:$0x16200] =	vst v63  }
0x7c: {  	s19 =	simm.s32 $0x0  }
0x7d: {  	v0 =	vld [tilespmem:s19+$0xF0]  }
0x7e: {  	v1 =	vld [tilespmem:s19+$0x0]  }
0x7f: {  	v2 =	vld [tilespmem:s19+$0x10]  }
0x80: {  	v3 =	vld [tilespmem:s19+$0x20]  }
0x81: {  	v4 =	vld [tilespmem:s19+$0x30]  }
0x82: {  	v5 =	vld [tilespmem:s19+$0x40]  }
0x83: {  	v6 =	vld [tilespmem:s19+$0x50]  }
0x84: {  	v7 =	vld [tilespmem:s19+$0x60]  }
0x85: {  	v8 =	vld [tilespmem:s19+$0x70]  }
0x86: {  	v9 =	vld [tilespmem:s19+$0x80]  }
0x87: {  	v10 =	vld [tilespmem:s19+$0x90]  }
0x88: {  	v11 =	vld [tilespmem:s19+$0xA0]  }
0x89: {  	v12 =	vld [tilespmem:s19+$0xB0]  }
0x8a: {  	v13 =	vld [tilespmem:s19+$0xC0]  }
0x8b: {  	v14 =	vld [tilespmem:s19+$0xD0]  }
0x8c: {  	[tilespmem:s19+$0xCCF0] =	vst.add.f32.msk $0xffff, v0  }
0x8d: {  	v0 =	vld [tilespmem:s19+$0xE0]  }
0x8e: {  	[tilespmem:s19+$0xCC00] =	vst.add.f32.msk $0xffff, v1  }
0x8f: {  	[tilespmem:s19+$0xCC10] =	vst.add.f32.msk $0xffff, v2  }
0x90: {  	[tilespmem:s19+$0xCC20] =	vst.add.f32.msk $0xffff, v3  }
0x91: {  	[tilespmem:s19+$0xCC30] =	vst.add.f32.msk $0xffff, v4  }
0x92: {  	[tilespmem:s19+$0xCC40] =	vst.add.f32.msk $0xffff, v5  }
0x93: {  	[tilespmem:s19+$0xCC50] =	vst.add.f32.msk $0xffff, v6  }
0x94: {  	[tilespmem:s19+$0xCC60] =	vst.add.f32.msk $0xffff, v7  }
0x95: {  	[tilespmem:s19+$0xCC70] =	vst.add.f32.msk $0xffff, v8  }
0x96: {  	[tilespmem:s19+$0xCC80] =	vst.add.f32.msk $0xffff, v9  }
0x97: {  	[tilespmem:s19+$0xCC90] =	vst.add.f32.msk $0xffff, v10  }
0x98: {  	[tilespmem:s19+$0xCCA0] =	vst.add.f32.msk $0xffff, v11  }
0x99: {  	[tilespmem:s19+$0xCCB0] =	vst.add.f32.msk $0xffff, v12  }
0x9a: {  	[tilespmem:s19+$0xCCC0] =	vst.add.f32.msk $0xffff, v13  }
0x9b: {  	s5 =	simm.s32 $0x400;
	s11 =	simm.s32 $0x0;
	[tilespmem:s19+$0xCCD0] =	vst.add.f32.msk $0xffff, v14  }
.LBB2_5:
0x9c: {  	s11 =	sadd.s32 $0x4, s11;
	[tilespmem:s19+$0xCCE0] =	vst.add.f32.msk $0xffff, v0;
	s19 =	sshra.s32 s5, $0x2  }
0x9d: {  	v0 =	vld [tilespmem:s19+$0xF0];
	p0 =	slt.u32 s11, $0xC4  }
0x9e: {  	v1 =	vld [tilespmem:s19+$0x0]  }
0x9f: {  	v2 =	vld [tilespmem:s19+$0x10]  }
0xa0: {  	v3 =	vld [tilespmem:s19+$0x20]  }
0xa1: {  	v4 =	vld [tilespmem:s19+$0x30]  }
0xa2: {  	[tilespmem:s19+$0xCCF0] =	vst.add.f32.msk $0xffff, v0  }
0xa3: {  	v5 =	vld [tilespmem:s19+$0x40]  }
0xa4: {  	v6 =	vld [tilespmem:s19+$0x50]  }
0xa5: {  	v7 =	vld [tilespmem:s19+$0x60]  }
0xa6: {  	v8 =	vld [tilespmem:s19+$0x70]  }
0xa7: {  	v9 =	vld [tilespmem:s19+$0x80]  }
0xa8: {  	v10 =	vld [tilespmem:s19+$0x90]  }
0xa9: {  	v11 =	vld [tilespmem:s19+$0xA0]  }
0xaa: {  	v12 =	vld [tilespmem:s19+$0xB0]  }
0xab: {  	v13 =	vld [tilespmem:s19+$0xC0]  }
0xac: {  	v14 =	vld [tilespmem:s19+$0xD0]  }
0xad: {  	v0 =	vld [tilespmem:s19+$0xE0]  }
0xae: {  	[tilespmem:s19+$0xCC00] =	vst.add.f32.msk $0xffff, v1  }
0xaf: {  	[tilespmem:s19+$0xCC10] =	vst.add.f32.msk $0xffff, v2  }
0xb0: {  	[tilespmem:s19+$0xCC20] =	vst.add.f32.msk $0xffff, v3  }
0xb1: {  	[tilespmem:s19+$0xCC30] =	vst.add.f32.msk $0xffff, v4  }
0xb2: {  	[tilespmem:s19+$0xCC40] =	vst.add.f32.msk $0xffff, v5  }
0xb3: {  	[tilespmem:s19+$0xCC50] =	vst.add.f32.msk $0xffff, v6  }
0xb4: {  	[tilespmem:s19+$0xCC60] =	vst.add.f32.msk $0xffff, v7  }
0xb5: {  	[tilespmem:s19+$0xCC70] =	vst.add.f32.msk $0xffff, v8  }
0xb6: {  	[tilespmem:s19+$0xCC80] =	vst.add.f32.msk $0xffff, v9  }
.Ltmp1:
0xb7: {  	[tilespmem:s19+$0xCC90] =	vst.add.f32.msk $0xffff, v10;
	(pc) =	sbr.rel @p0 .LBB2_5-.Ltmp1, $4  }
0xb8: {  	[tilespmem:s19+$0xCCA0] =	vst.add.f32.msk $0xffff, v11  }
0xb9: {  	[tilespmem:s19+$0xCCB0] =	vst.add.f32.msk $0xffff, v12  }
0xba: {  	[tilespmem:s19+$0xCCC0] =	vst.add.f32.msk $0xffff, v13  }
0xbb: {  	s5 =	sadd.s32 $0x400, s5;
	[tilespmem:s19+$0xCCD0] =	vst.add.f32.msk $0xffff, v14  }
0xbc: {  	s5 =	sadd.s32 s18, s8  }
0xbd: {  	s5 =	sshll.u32 s5, $0x3  }
0xbe: {  	s5 =	sand.u32 $0x1FFFFF40, s5  }
0xbf: {  	[tilespmem:s19+$0xCCE0] =	vst.add.f32.msk $0xffff, v0;
	s5 =	sadd.s32 s2, s5  }
0xc0: {  	[hbm4b:s5+s3] =	stream.linear.scatter [tilespmem:s17], [sflag:$0x6], $0x3200, $0x38;
	[tilespmem:$0x16200] =	vst v63  }
0xc1: {  	_ =	swait.ge [sflag:s26], $0x1900  }
0xc2: {  	[sflag:s26] =	ssyncset.done $0x0  }
0xc3: {  	[sflag:s26] =	ssyncadd.s32 $0xFFFFE700  }
0xc4: {  	_ =	swait.ge [sflag:s26], $0x1900  }
0xc5: {  	p0 =	seq.s32 s14, $0x1F;
	[sflag:s26] =	ssyncset.done $0x0  }
0xc6: {  	s11 =	smul.u32 @!p0 $0xD00, s14;
	s5 =	simm.s32 @!p0 $0x5;
	[sflag:s26] =	ssyncadd.s32 $0xFFFFE700  }
0xc7: {  	_ =	swait.ge @!p0 [sflag:s5], $0x3200  }
0xc8: {  	s19 =	simm.s32 @!p0 $0x9A00;
	s18 =	sshra.s32 @!p0 s11, $0x2;
	[sflag:s5] =	ssyncset.done @!p0 $0x0  }
0xc9: {  	s11 =	simm.s32 @!p0 $0x64;
	[sflag:s5] =	ssyncadd.s32 @!p0 $0xFFFFCE00;
	s5 =	sadd.s32 @!p0 $0x3540, s18  }
0xca: {  	[tilespmem:s19], [sflag:$0x1] =	stream.indirect.gather @!p0 [hbm4b:s6+s11], $0x40, s5, s11, $0xb8;
	[tilespmem:$0x16200] =	vst v63  }
0xcb: {  	s5 =	sadd.s32 @!p0 $0x35A8, s18;
	s19 =	simm.s32 @!p0 $0xB300  }
0xcc: {  	[tilespmem:s19], [sflag:$0x1] =	stream.indirect.gather @!p0 [hbm4b:s6+s11], $0x40, s5, s11, $0xb8;
	[tilespmem:$0x16200] =	vst v63  }
0xcd: {  	s19 =	simm.s32 $0x0  }
0xce: {  	v0 =	vld [tilespmem:s19+$0xF0]  }
0xcf: {  	v1 =	vld [tilespmem:s19+$0x0]  }
0xd0: {  	v2 =	vld [tilespmem:s19+$0x10]  }
0xd1: {  	v3 =	vld [tilespmem:s19+$0x20]  }
0xd2: {  	v4 =	vld [tilespmem:s19+$0x30]  }
0xd3: {  	v5 =	vld [tilespmem:s19+$0x40]  }
0xd4: {  	v6 =	vld [tilespmem:s19+$0x50]  }
0xd5: {  	v7 =	vld [tilespmem:s19+$0x60]  }
0xd6: {  	v8 =	vld [tilespmem:s19+$0x70]  }
0xd7: {  	v9 =	vld [tilespmem:s19+$0x80]  }
0xd8: {  	v10 =	vld [tilespmem:s19+$0x90]  }
0xd9: {  	v11 =	vld [tilespmem:s19+$0xA0]  }
0xda: {  	v12 =	vld [tilespmem:s19+$0xB0]  }
0xdb: {  	v13 =	vld [tilespmem:s19+$0xC0]  }
0xdc: {  	v14 =	vld [tilespmem:s19+$0xD0]  }
0xdd: {  	[tilespmem:s19+$0xFEF0] =	vst.add.f32.msk $0xffff, v0  }
0xde: {  	v0 =	vld [tilespmem:s19+$0xE0]  }
0xdf: {  	[tilespmem:s19+$0xFE00] =	vst.add.f32.msk $0xffff, v1  }
0xe0: {  	[tilespmem:s19+$0xFE10] =	vst.add.f32.msk $0xffff, v2  }
0xe1: {  	[tilespmem:s19+$0xFE20] =	vst.add.f32.msk $0xffff, v3  }
0xe2: {  	[tilespmem:s19+$0xFE30] =	vst.add.f32.msk $0xffff, v4  }
0xe3: {  	[tilespmem:s19+$0xFE40] =	vst.add.f32.msk $0xffff, v5  }
0xe4: {  	[tilespmem:s19+$0xFE50] =	vst.add.f32.msk $0xffff, v6  }
0xe5: {  	[tilespmem:s19+$0xFE60] =	vst.add.f32.msk $0xffff, v7  }
0xe6: {  	[tilespmem:s19+$0xFE70] =	vst.add.f32.msk $0xffff, v8  }
0xe7: {  	[tilespmem:s19+$0xFE80] =	vst.add.f32.msk $0xffff, v9  }
0xe8: {  	[tilespmem:s19+$0xFE90] =	vst.add.f32.msk $0xffff, v10  }
0xe9: {  	[tilespmem:s19+$0xFEA0] =	vst.add.f32.msk $0xffff, v11  }
0xea: {  	[tilespmem:s19+$0xFEB0] =	vst.add.f32.msk $0xffff, v12  }
0xeb: {  	[tilespmem:s19+$0xFEC0] =	vst.add.f32.msk $0xffff, v13  }
0xec: {  	s11 =	simm.s32 $0x0;
	s5 =	simm.s32 $0x400;
	[tilespmem:s19+$0xFED0] =	vst.add.f32.msk $0xffff, v14  }
.LBB2_7:
0xed: {  	s11 =	sadd.s32 $0x4, s11;
	[tilespmem:s19+$0xFEE0] =	vst.add.f32.msk $0xffff, v0;
	s19 =	sshra.s32 s5, $0x2  }
0xee: {  	v0 =	vld [tilespmem:s19+$0xF0];
	p1 =	slt.u32 s11, $0xC4  }
0xef: {  	v1 =	vld [tilespmem:s19+$0x0]  }
0xf0: {  	v2 =	vld [tilespmem:s19+$0x10]  }
0xf1: {  	v3 =	vld [tilespmem:s19+$0x20]  }
0xf2: {  	v4 =	vld [tilespmem:s19+$0x30]  }
0xf3: {  	[tilespmem:s19+$0xFEF0] =	vst.add.f32.msk $0xffff, v0  }
0xf4: {  	v5 =	vld [tilespmem:s19+$0x40]  }
0xf5: {  	v6 =	vld [tilespmem:s19+$0x50]  }
0xf6: {  	v7 =	vld [tilespmem:s19+$0x60]  }
0xf7: {  	v8 =	vld [tilespmem:s19+$0x70]  }
0xf8: {  	v9 =	vld [tilespmem:s19+$0x80]  }
0xf9: {  	v10 =	vld [tilespmem:s19+$0x90]  }
0xfa: {  	v11 =	vld [tilespmem:s19+$0xA0]  }
0xfb: {  	v12 =	vld [tilespmem:s19+$0xB0]  }
0xfc: {  	v13 =	vld [tilespmem:s19+$0xC0]  }
0xfd: {  	v14 =	vld [tilespmem:s19+$0xD0]  }
0xfe: {  	v0 =	vld [tilespmem:s19+$0xE0]  }
0xff: {  	[tilespmem:s19+$0xFE00] =	vst.add.f32.msk $0xffff, v1  }
0x100: {  	[tilespmem:s19+$0xFE10] =	vst.add.f32.msk $0xffff, v2  }
0x101: {  	[tilespmem:s19+$0xFE20] =	vst.add.f32.msk $0xffff, v3  }
0x102: {  	[tilespmem:s19+$0xFE30] =	vst.add.f32.msk $0xffff, v4  }
0x103: {  	[tilespmem:s19+$0xFE40] =	vst.add.f32.msk $0xffff, v5  }
0x104: {  	[tilespmem:s19+$0xFE50] =	vst.add.f32.msk $0xffff, v6  }
0x105: {  	[tilespmem:s19+$0xFE60] =	vst.add.f32.msk $0xffff, v7  }
0x106: {  	[tilespmem:s19+$0xFE70] =	vst.add.f32.msk $0xffff, v8  }
0x107: {  	[tilespmem:s19+$0xFE80] =	vst.add.f32.msk $0xffff, v9  }
.Ltmp2:
0x108: {  	[tilespmem:s19+$0xFE90] =	vst.add.f32.msk $0xffff, v10;
	(pc) =	sbr.rel @p1 .LBB2_7-.Ltmp2, $4  }
0x109: {  	[tilespmem:s19+$0xFEA0] =	vst.add.f32.msk $0xffff, v11  }
0x10a: {  	[tilespmem:s19+$0xFEB0] =	vst.add.f32.msk $0xffff, v12  }
0x10b: {  	[tilespmem:s19+$0xFEC0] =	vst.add.f32.msk $0xffff, v13  }
0x10c: {  	s5 =	sadd.s32 $0x400, s5;
	[tilespmem:s19+$0xFED0] =	vst.add.f32.msk $0xffff, v14  }
0x10d: {  	s5 =	smul.u32 $0xC8, s16;
	_ =	sdelay $0x1  }
0x10e: {  	s5 =	sadd.s32 s4, s5  }
0x10f: {  	s5 =	sshll.u32 s5, $0x3  }
0x110: {  	s5 =	sand.u32 $0x1FFFFF80, s5  }
0x111: {  	[tilespmem:s19+$0xFEE0] =	vst.add.f32.msk $0xffff, v0;
	s5 =	sadd.s32 s2, s5  }
0x112: {  	[hbm4b:s5+s3] =	stream.linear.scatter [tilespmem:s21], [sflag:$0x7], $0x3200, $0x38;
	[tilespmem:$0x16200] =	vst v63  }
0x113: {  	_ =	swait.ge [sflag:s28], $0x1900  }
0x114: {  	[sflag:s28] =	ssyncset.done $0x0  }
0x115: {  	[sflag:s28] =	ssyncadd.s32 $0xFFFFE700  }
0x116: {  	_ =	swait.ge [sflag:s28], $0x1900  }
0x117: {  	[sflag:s28] =	ssyncset.done $0x0  }
0x118: {  	s5 =	simm.s32 @!p0 $0x6;
	[sflag:s28] =	ssyncadd.s32 $0xFFFFE700  }
0x119: {  	_ =	swait.ge @!p0 [sflag:s5], $0x3200  }
0x11a: {  	s11 =	simm.s32 @!p0 $0x64;
	[sflag:s5] =	ssyncset.done @!p0 $0x0  }
0x11b: {  	s16 =	simm.s32 @!p0 $0xCC00;
	[sflag:s5] =	ssyncadd.s32 @!p0 $0xFFFFCE00;
	s5 =	sadd.s32 @!p0 $0x3610, s18  }
0x11c: {  	[tilespmem:s16], [sflag:$0x2] =	stream.indirect.gather @!p0 [hbm4b:s6+s11], $0x40, s5, s11, $0xb8;
	[tilespmem:$0x16200] =	vst v63  }
0x11d: {  	s5 =	sadd.s32 @!p0 $0x3678, s18;
	s16 =	simm.s32 @!p0 $0xE500  }
0x11e: {  	[tilespmem:s16], [sflag:$0x2] =	stream.indirect.gather @!p0 [hbm4b:s6+s11], $0x40, s5, s11, $0xb8;
	[tilespmem:$0x16200] =	vst v63  }
0x11f: {  	s16 =	simm.s32 $0x0  }
0x120: {  	v0 =	vld [tilespmem:s16+$0xF0]  }
0x121: {  	v1 =	vld [tilespmem:s16+$0x0]  }
0x122: {  	v2 =	vld [tilespmem:s16+$0x10]  }
0x123: {  	v3 =	vld [tilespmem:s16+$0x20]  }
0x124: {  	v4 =	vld [tilespmem:s16+$0x30]  }
0x125: {  	v5 =	vld [tilespmem:s16+$0x40]  }
0x126: {  	v6 =	vld [tilespmem:s16+$0x50]  }
0x127: {  	v7 =	vld [tilespmem:s16+$0x60]  }
0x128: {  	v8 =	vld [tilespmem:s16+$0x70]  }
0x129: {  	v9 =	vld [tilespmem:s16+$0x80]  }
0x12a: {  	v10 =	vld [tilespmem:s16+$0x90]  }
0x12b: {  	v11 =	vld [tilespmem:s16+$0xA0]  }
0x12c: {  	v12 =	vld [tilespmem:s16+$0xB0]  }
0x12d: {  	v13 =	vld [tilespmem:s16+$0xC0]  }
0x12e: {  	v14 =	vld [tilespmem:s16+$0xD0]  }
0x12f: {  	[tilespmem:s16+$0x130F0] =	vst.add.f32.msk $0xffff, v0  }
0x130: {  	v0 =	vld [tilespmem:s16+$0xE0]  }
0x131: {  	[tilespmem:s16+$0x13000] =	vst.add.f32.msk $0xffff, v1  }
0x132: {  	[tilespmem:s16+$0x13010] =	vst.add.f32.msk $0xffff, v2  }
0x133: {  	[tilespmem:s16+$0x13020] =	vst.add.f32.msk $0xffff, v3  }
0x134: {  	[tilespmem:s16+$0x13030] =	vst.add.f32.msk $0xffff, v4  }
0x135: {  	[tilespmem:s16+$0x13040] =	vst.add.f32.msk $0xffff, v5  }
0x136: {  	[tilespmem:s16+$0x13050] =	vst.add.f32.msk $0xffff, v6  }
0x137: {  	[tilespmem:s16+$0x13060] =	vst.add.f32.msk $0xffff, v7  }
0x138: {  	[tilespmem:s16+$0x13070] =	vst.add.f32.msk $0xffff, v8  }
0x139: {  	[tilespmem:s16+$0x13080] =	vst.add.f32.msk $0xffff, v9  }
0x13a: {  	[tilespmem:s16+$0x13090] =	vst.add.f32.msk $0xffff, v10  }
0x13b: {  	[tilespmem:s16+$0x130A0] =	vst.add.f32.msk $0xffff, v11  }
0x13c: {  	[tilespmem:s16+$0x130B0] =	vst.add.f32.msk $0xffff, v12  }
0x13d: {  	[tilespmem:s16+$0x130C0] =	vst.add.f32.msk $0xffff, v13  }
0x13e: {  	s11 =	simm.s32 $0x0;
	s5 =	simm.s32 $0x400;
	[tilespmem:s16+$0x130D0] =	vst.add.f32.msk $0xffff, v14  }
.LBB2_9:
0x13f: {  	s11 =	sadd.s32 $0x4, s11;
	[tilespmem:s16+$0x130E0] =	vst.add.f32.msk $0xffff, v0;
	s16 =	sshra.s32 s5, $0x2  }
0x140: {  	v0 =	vld [tilespmem:s16+$0xF0];
	p0 =	slt.u32 s11, $0xC4  }
0x141: {  	v1 =	vld [tilespmem:s16+$0x0]  }
0x142: {  	v2 =	vld [tilespmem:s16+$0x10]  }
0x143: {  	v3 =	vld [tilespmem:s16+$0x20]  }
0x144: {  	v4 =	vld [tilespmem:s16+$0x30]  }
0x145: {  	[tilespmem:s16+$0x130F0] =	vst.add.f32.msk $0xffff, v0  }
0x146: {  	v5 =	vld [tilespmem:s16+$0x40]  }
0x147: {  	v6 =	vld [tilespmem:s16+$0x50]  }
0x148: {  	v7 =	vld [tilespmem:s16+$0x60]  }
0x149: {  	v8 =	vld [tilespmem:s16+$0x70]  }
0x14a: {  	v9 =	vld [tilespmem:s16+$0x80]  }
0x14b: {  	v10 =	vld [tilespmem:s16+$0x90]  }
0x14c: {  	v11 =	vld [tilespmem:s16+$0xA0]  }
0x14d: {  	v12 =	vld [tilespmem:s16+$0xB0]  }
0x14e: {  	v13 =	vld [tilespmem:s16+$0xC0]  }
0x14f: {  	v14 =	vld [tilespmem:s16+$0xD0]  }
0x150: {  	v0 =	vld [tilespmem:s16+$0xE0]  }
0x151: {  	[tilespmem:s16+$0x13000] =	vst.add.f32.msk $0xffff, v1  }
0x152: {  	[tilespmem:s16+$0x13010] =	vst.add.f32.msk $0xffff, v2  }
0x153: {  	[tilespmem:s16+$0x13020] =	vst.add.f32.msk $0xffff, v3  }
0x154: {  	[tilespmem:s16+$0x13030] =	vst.add.f32.msk $0xffff, v4  }
0x155: {  	[tilespmem:s16+$0x13040] =	vst.add.f32.msk $0xffff, v5  }
0x156: {  	[tilespmem:s16+$0x13050] =	vst.add.f32.msk $0xffff, v6  }
0x157: {  	[tilespmem:s16+$0x13060] =	vst.add.f32.msk $0xffff, v7  }
0x158: {  	[tilespmem:s16+$0x13070] =	vst.add.f32.msk $0xffff, v8  }
0x159: {  	[tilespmem:s16+$0x13080] =	vst.add.f32.msk $0xffff, v9  }
.Ltmp3:
0x15a: {  	[tilespmem:s16+$0x13090] =	vst.add.f32.msk $0xffff, v10;
	(pc) =	sbr.rel @p0 .LBB2_9-.Ltmp3, $4  }
0x15b: {  	[tilespmem:s16+$0x130A0] =	vst.add.f32.msk $0xffff, v11  }
0x15c: {  	[tilespmem:s16+$0x130B0] =	vst.add.f32.msk $0xffff, v12  }
0x15d: {  	[tilespmem:s16+$0x130C0] =	vst.add.f32.msk $0xffff, v13  }
0x15e: {  	s5 =	sadd.s32 $0x400, s5;
	[tilespmem:s16+$0x130D0] =	vst.add.f32.msk $0xffff, v14  }
0x15f: {  	s5 =	smul.u32 $0xC8, s15;
	s14 =	sadd.s32 $0x1, s14  }
0x160: {  	p0 =	sne.s32 s14, $0x20  }
.Ltmp4:
0x161: {  	s5 =	sadd.s32 s4, s5;
	(pc) =	sbr.rel @p0 .LBB2_2-.Ltmp4, $4  }
0x162: {  	s5 =	sshll.u32 s5, $0x3  }
0x163: {  	s5 =	sand.u32 $0x1FFFFFC0, s5  }
0x164: {  	[tilespmem:s16+$0x130E0] =	vst.add.f32.msk $0xffff, v0;
	s5 =	sadd.s32 s2, s5  }
0x165: {  	[hbm4b:s5+s3] =	stream.linear.scatter [tilespmem:s24], [sflag:$0x8], $0x3200, $0x38;
	[tilespmem:$0x16200] =	vst v63  }
0x166: {  	_ =	swait.ge [sflag:s29], $0x3200  }
0x167: {  	[sflag:s29] =	ssyncset.done $0x0  }
0x168: {  	[sflag:s29] =	ssyncadd.s32 $0xFFFFCE00  }
0x169: {  	_ =	swait.ge [sflag:s30], $0x3200  }
0x16a: {  	[sflag:s30] =	ssyncset.done $0x0  }
0x16b: {  	s0 =	sadd.s32 $0x1, s0;
	[sflag:s30] =	ssyncadd.s32 $0xFFFFCE00  }
0x16c: {  	p0 =	sne.s32 s0, s9;
	_ =	swait.ge [sflag:s31], $0x3200  }
.Ltmp5:
0x16d: {  	[sflag:s31] =	ssyncset.done $0x0;
	(pc) =	sbr.rel @p0 .LBB2_1-.Ltmp5, $4  }
0x16e: {  	[sflag:s31] =	ssyncadd.s32 $0xFFFFCE00  }
0x16f: {  	_ =	swait.ge [sflag:s1], $0x3200  }
0x170: {  	[sflag:s1] =	ssyncset.done $0x0  }
0x171: {  	[sflag:s1] =	ssyncadd.s32 $0xFFFFCE00  }
0x172: {  	_ =	sfence.sel $0x180000  }
0x173: {  	[bflag:$0x0] =	sbarrier.arrive $0xFFFF  }
0x174: {  	_ =	strace $0x90000047  }
0x175: {  	s0 =	stileid.u32;
	[bflag:$0x2] =	sbarrier.arrive $0xFFFF  }
0x176: {  	p0 =	sne.s32 s0, $0x0;
	s0 =	rddreg [dreg:$0x2]  }
0x177: {  	s0 =	sadd.s32 @!p0 $0x100000, s0  }
0x178: {  	[sflag:s0] =	ssyncadd.tile.s32 @!p0 $0x1;
	_ =	shalt  }
.Lfunc_end2:
_tile_overlayer_lowered:
.L_overlay_start_2:
0x179: {  	(tag) =	ssettag $0x2  }
0x17a: {  	s0 =	rddreg [dreg:$0x0];
	s2 =	stileid.u32  }
0x17b: {  	s1 =	rddreg [dreg:$0x1];
	p0 =	sne.s32 s2, $0x0  }
0x17c: {  	s3 =	rddreg [dreg:$0x2];
	[bflag:$0x3] =	sbarrier.arrive $0xFFFF;
	s2 =	simm.s32 @!p0 $0x1C09  }
0x17d: {  	[timem:s3], [sflag:s2] =	dma.local @!p0 [hbm:s0], s1  }
0x17e: {  	s0 =	simm.s32 @!p0 $0x9  }
0x17f: {  	_ =	swait.ge @!p0 [sflag:s0], s1  }
0x180: {  	s1 =	ssub.s32 @!p0 $0x0, s1;
	[sflag:s0] =	ssyncset.done @!p0 $0x0  }
0x181: {  	[sflag:s0] =	ssyncadd.s32 @!p0 s1  }
0x182: {  	[bflag:$0x3] =	sbarrier.arrive $0xFFFF  }
0x183: {  	_ =	shalt  }

// kernel: sparse-core-data-format-call.cloned.1.call-start
scs
called_computation_lowered:
.L_overlay_start_0:
0x0: {  	s2 =	sld [smem:$0x3FD9]  }
0x1: {  	s3 =	sld [smem:$0x3FFE];
	_ =	sdelay $0x1  }
0x2: {  	s1 =	srdreg.scid  }
0x3: {  	s0 =	sand.u32 $0x1, s1  }
0x4: {  	s18 =	sshll.u32 s0, $0xA;
	s2 =	sadd.s32 s3, s2  }
0x5: {  	s2 =	sadd.s32 s2, s18  }
0x6: {  	[smem:$0x3FC6] =	sst s2  }
0x7: {  	_ = 	snop  }
0x8: {  	s2 =	sld [smem:$0x3FD0];
	(tm) =	ssettm $0x1  }
0x9: {  	s19 =	sld [smem:$0x3FFB];
	_ =	sdelay $0x3  }
0xa: {  	_ =	strace s19  }
0xb: {  	s3 =	sld [smem:$0x3FFC];
	_ =	sdelay $0x3  }
0xc: {  	_ =	strace s3  }
0xd: {  	s3 =	sld [smem:$0x3FFD];
	_ =	sdelay $0x3  }
0xe: {  	_ =	strace s3  }
0xf: {  	_ =	strace $0x8FFFFFFF  }
0x10: {  	s20 =	sld [smem:$0x3FDB];
	_ =	sdelay $0x1  }
0x11: {  	s4 =	simm.s32 $_scs_section_size  }
0x12: {  	s5 =	simm.s32 $_size__tile_overlayer_lowered;
	s6 =	simm.s32 $_tile_overlayer_lowered  }
0x13: {  	s23 =	simm.s32 $0x1BFF;
	s22 =	sshll.u32 s6, $0x1;
	s3 =	sadd.s32 s4, s20  }
0x14: {  	s7 =	simm.s32 $0x0;
	s21 =	sshll.u32 s5, $0x1;
	s5 =	sadd.s32 s22, s3  }
0x15: {  	[timem:s7], [sflag:s23] =	dma.local [hbm:s5], s21  }
0x16: {  	_ =	swait.ge [sflag:s23], s21  }
0x17: {  	s4 =	ssub.s32 $0x0, s21;
	[sflag:s23] =	ssyncset.done $0x0  }
0x18: {  	[sflag:s23] =	ssyncadd.s32 s4;
	_ =	sdelay $0x1  }
0x19: {  	s24 =	simm.s32 $0x1B8B  }
0x1a: {  	_ =	swait.ge [sflag:s24], $0x1  }
0x1b: {  	[sflag:s24] =	ssyncset.done $0x0  }
0x1c: {  	s26 =	simm.s32 $0x1B8E;
	s25 =	sld [smem:$0x3FFE];
	[sflag:s24] =	ssyncadd.s32 $0xFFFFFFFF  }
0x1d: {  	s27 =	simm.s32 $execute0_lowered;
	[smem:$0x3FD2] =	sst s26  }
0x1e: {  	s5 =	sshll.u32 s27, $0x1;
	_ =	strace $0x80000049;
	[dreg:$0x1] =	wrdreg $0xFFFFFFFF  }
0x1f: {  	s28 =	simm.s32 $_size_execute0_lowered;
	s3 =	sadd.s32 s3, s5;
	[dreg:$0x0] =	wrdreg $0x0  }
0x20: {  	s5 =	sshll.u32 s28, $0x1;
	[dreg:$0x2] =	wrdreg s3  }
0x21: {  	[dreg:$0x3] =	wrdreg s5  }
0x22: {  	[dreg:$0x4] =	wrdreg $0xC0  }
0x23: {  	_ =	task [dreg:s7], $0x5FFFF  }
0x24: {  	[dreg:$0x1] =	wrdreg $0xFFFFFFFF  }
0x25: {  	[dreg:$0x0] =	wrdreg $0x60  }
0x26: {  	[dreg:$0x2] =	wrdreg s25  }
0x27: {  	[dreg:$0x3] =	wrdreg s2  }
0x28: {  	[dreg:$0x4] =	wrdreg $0x9  }
0x29: {  	_ =	task.clear_ibuf [dreg:s7], $0x5FFFF;
	_ =	strace $0x90000049  }
0x2a: {  	s29 =	simm.s32 $0x9;
	_ =	strace $0x8000004B  }
0x2b: {  	_ =	swait.ge [sflag:s29], $0x1  }
0x2c: {  	[sflag:s29] =	ssyncadd.s32 $0xFFFFFFFF  }
0x2d: {  	_ =	strace $0x9000004B  }
0x2e: {  	_ =	sfence  }
0x2f: {  	s30 =	sld [smem:$0x0];
	_ =	sdelay $0x2  }
0x30: {  	s31 =	sshll.u32 s1, $0xD;
	s1 =	sshrl.u32 s1, $0x2  }
0x31: {  	s3 =	sand.u32 $0x4000, s31;
	s1 =	sadd.s32 s1, s30  }
0x32: {  	s0 =	sor.u32 s3, s0;
	s1 =	sshll.u32 s1, $0x11  }
0x33: {  	s0 =	sor.u32 s1, s0  }
0x34: {  	s0 =	sadd.s32 $0x8F2B, s0  }
0x35: {  	[sflag:s0] =	ssyncadd.remote.s32 $0x1  }
0x36: {  	_ =	sfence.sel $0xFFFF  }
0x37: {  	[dreg:$0x0] =	wrdreg $0xFFFFFFFF;
	(pc) =	sbr.abs _section_cstart, $3  }
0x38: {  	[dreg:$0x1] =	wrdreg $0xFFFFFFFF  }
0x39: {  	_ =	task.clear_ibuf [dreg:s7], $0x2FFFF;
	_ =	strace $0x9FFFFFFF  }
0x3a: {  	(tm) =	ssettm $0x7FFFFFFF  }
0x3b: {  	_ =	shalt  }
tec
execute0_lowered:
.L_overlay_start_1:
0x0: {  	(tag) =	ssettag $0x1  }
0x1: {  	s0 =	srdreg.scid  }
0x2: {  	s1 =	sshll.u32 s0, $0x4  }
0x3: {  	s0 =	stileid.u32;
	s1 =	sand.u32 $0x10, s1  }
0x4: {  	s1 =	sor.u32 s0, s1  }
0x5: {  	s6 =	rddreg [dreg:$0x0];
	s4 =	simm.s32 $0x1;
	s2 =	sshll.u32 s1, $0x7  }
0x6: {  	s7 =	simm.s32 $0x2;
	s12 =	simm.s32 $0x0;
	s1 =	ssub.s32 $0x1000, s2  }
0x7: {  	s8 =	simm.s32 $0x8000;
	s13 =	simm.s32 $0x0;
	s3 =	sand.u32 $0xF80, s1  }
0x8: {  	s9 =	simm.s32 $0x0;
	s5 =	sshrl.u32 s1, $0xC;
	p0 =	sne.s32 s3, $0x0  }
.Ltmp0:
0x9: {  	s1 =	rddreg [dreg:$0x2];
	s4 =	simm.s32 @!p0 $0x0;
	(pc) =	sbr.rel .LBB1_1-.Ltmp0, $4  }
0xa: {  	s11 =	simm.s32 $0x0;
	s3 =	rddreg [dreg:$0x1];
	s5 =	sadd.s32 s4, s5  }
0xb: {  	_ =	strace $0x8000004A;
	s4 =	simm.s32 $0x1;
	s5 =	smul.u32 $0xC8, s5  }
0xc: {  	s6 =	sadd.s32 $0x400, s6;
	s10 =	smov.u32 s2;
	[sflag:s4] =	ssyncpa.u1 $0x0  }
0xd: {  	p0 =	por $0x0, $0x0;
	[sflag:s7] =	ssyncpa.u1 $0x0;
	s7 =	sor.u32 $0x1, s5  }
.LBB1_4:
0xe: {  	s16 =	sshll.u32 s13, $0x3;
	s17 =	sand.u32 $0x78, s13  }
0xf: {  	s30 =	sand.u32 $0x7E00, s13;
	s12 =	sshll.u32 s12, $0xF;
	s16 =	sand.u32 $0xC00, s16  }
0x10: {  	[tilespmem:s15+$0x810 ss:$0x81] =	vst.msk $0xffff, v2;
	s31 =	sand.u32 $0x7, s13;
	s16 =	sor.u32 s17, s16;
	s17 =	sadd.s32 s3, s30  }
0x11: {  	[tilespmem:s15+$0x1020 ss:$0x81] =	vst.msk $0xffff, v0;
	s13 =	sshll.u32 s31, $0x12;
	s12 =	sadd.s32 s12, s17;
	s16 =	sshrl.u32 s16, $0x3  }
0x12: {  	[tilespmem:s15+$0x0 ss:$0x81] =	vst.msk $0xffff, v1;
	s13 =	sor.u32 $0x400, s13;
	s12 =	sadd.s32 s16, s12  }
0x13: {  	[hbm4b:s12+s13] =	stream.strided.scatter [tilespmem:s14], [sflag:$0x2], $0x2000, s8, s13, $0x20;
	[tilespmem:$0x8080] =	vst v63  }
.LBB1_5:
0x14: {  	s14 =	sadd.s32 $0x1, s9  }
0x15: {  	s12 =	sadd.s32 $0x1000, s10;
	s16 =	smov.u32 s10;
	p2 =	sgt.s32 s14, $0xC7  }
0x16: {  	s16 =	smov.u32 @p2 s12  }
0x17: {  	s14 =	simm.s32 @p2 $0x0;
	p2 =	sgt.s32 s16, $0xFFF  }
0x18: {  	s16 =	smov.u32 @p2 s2;
	p2 =	sne.s32 s11, s7  }
.Ltmp1:
0x19: {  	p1 =	slt.u32 s11, $0x2;
	(pc) =	sbr.rel @!p2 .LBB1_6-.Ltmp1, $4  }
0x1a: {  	s15 =	simm.s32 @!p1 $0x2  }
0x1b: {  	s13 =	smov.u32 s10;
	p0 =	por !p0, !p0;
	_ =	swait.ge @!p1 [sflag:s15], $0x2000  }
0x1c: {  	s12 =	smov.u32 s9;
	[sflag:s15] =	ssyncset.done @!p1 $0x0;
	s9 =	smov.u32 s14  }
0x1d: {  	s11 =	sadd.s32 $0x1, s11;
	[sflag:s15] =	ssyncadd.s32 @!p1 $0xFFFFE000;
	s10 =	smov.u32 s16  }
.LBB1_1:
0x1e: {  	p1 =	sge.u32 s11, s5  }
0x1f: {  	s14 =	sand.u32 @!p1 $0x1FFFFFF, s9  }
0x20: {  	s15 =	smulhi.u32 @!p1 $0x147AE15, s14;
	_ =	sdelay $0x1  }
0x21: {  	s15 =	smul.u32 @!p1 $0xC8, s15  }
0x22: {  	s16 =	sxor.u32 @!p1 $0xFFFFFFFF, s11;
	s17 =	smul.u32 @!p1 $0xC80, s10  }
0x23: {  	s31 =	sadd.s32 $0xFFFFFFFF, s11;
	s16 =	sshll.u32 @!p1 s16, $0xD;
	s14 =	ssub.s32 @!p1 s14, s15  }
0x24: {  	s15 =	sand.u32 @!p1 $0x2000, s16;
	s16 =	sadd.s32 @!p1 s6, s17;
	s14 =	sshll.u32 @!p1 s14, $0x4  }
0x25: {  	s17 =	simm.s32 @!p1 $0x6400;
	s14 =	sadd.s32 @!p1 s14, s16;
	s16 =	simm.s32 @!p1 $0x40  }
0x26: {  	[tilespmem:s15], [sflag:$0x1] =	stream.strided.gather @!p1 [hbm4b:s14+s16], $0x2000, s17, s16, $0x38;
	[tilespmem:$0x8080] =	vst v63  }
0x27: {  	p1 =	sge.u32 s31, s5  }
.Ltmp2:
0x28: {  	_ = 	snop;
	(pc) =	sbr.rel @p1 .LBB1_5-.Ltmp2, $1  }
0x29: {  	_ =	sdelay $0x3  }
0x2a: {  	s14 =	simm.s32 $0x1  }
0x2b: {  	_ =	swait.ge [sflag:s4], $0x2000;
	s14 =	simm.s32 @!p0 $0x0  }
0x2c: {  	[sflag:s4] =	ssyncset.done $0x0;
	s15 =	sshll.u32 s14, $0xD  }
0x2d: {  	[sflag:s4] =	ssyncadd.s32 $0xFFFFE000;
	s18 =	sor.u32 $0x20, s15  }
0x2e: {  	s14 =	smul.u32 $0x8100, s14;
	v3 =	vld [tilespmem:s18+$0x10]  }
0x2f: {  	s30 =	sand.u32 $0x1, s11;
	v2 =	vld [tilespmem:s18+$0xFFFFFFF0]  }
0x30: {  	s15 =	smul.u32 $0x8100, s30;
	s14 =	sshrl.u32 s14, $0x2;
	v0 =	vld [tilespmem:s18+$0x0]  }
0x31: {  	v1 =	vld [tilespmem:s18+$0xFFFFFFE0];
	s16 =	sor.u32 $0x4000, s14  }
0x32: {  	s31 =	sshrl.u32 s15, $0x2;
	s15 =	sadd.s32 $0x0, s16  }
0x33: {  	s17 =	simm.s32 $0x4;
	s18 =	sadd.s32 $0x40, s18;
	s14 =	sor.u32 $0x4000, s31;
	[tilespmem:s15+$0x1830 ss:$0x81] =	vst.msk $0xffff, v3  }
.LBB1_3:
0x34: {  	v3 =	vld [tilespmem:s18+$0x10];
	p1 =	sne.s32 s17, $0x1FC;
	[tilespmem:s15+$0x810 ss:$0x81] =	vst.msk $0xffff, v2;
	s19 =	smov.u32 s17;
	s17 =	sadd.s32 $0x4, s17  }
.Ltmp3:
0x35: {  	v2 =	vld [tilespmem:s18+$0xFFFFFFF0];
	[tilespmem:s15+$0x1020 ss:$0x81] =	vst.msk $0xffff, v0;
	(pc) =	sbr.rel @p1 .LBB1_3-.Ltmp3, $4  }
0x36: {  	v0 =	vld [tilespmem:s18+$0x0];
	[tilespmem:s15+$0x0 ss:$0x81] =	vst.msk $0xffff, v1  }
0x37: {  	s15 =	sshra.s32 s19, $0x2;
	v1 =	vld [tilespmem:s18+$0xFFFFFFE0]  }
0x38: {  	s15 =	sadd.s32 s15, s16  }
0x39: {  	s18 =	sadd.s32 $0x40, s18;
	[tilespmem:s15+$0x1830 ss:$0x81] =	vst.msk $0xffff, v3  }
.Ltmp4:
0x3a: {  	_ = 	snop;
	(pc) =	sbr.rel .LBB1_4-.Ltmp4, $1  }
0x3b: {  	_ =	sdelay $0x3  }
.LBB1_6:
0x3c: {  	_ =	sfence.sel $0x180000  }
0x3d: {  	s2 =	simm.s32 $0x1;
	[bflag:$0x0] =	sbarrier.arrive $0xFFFF  }
0x3e: {  	s31 =	simm.s32 $0x2;
	[sflag:s2] =	ssyncpa.u1 $0x1  }
0x3f: {  	[sflag:s31] =	ssyncpa.u1 $0x1  }
0x40: {  	p0 =	sne.s32 s0, $0x0;
	_ =	strace $0x9000004A  }
0x41: {  	s0 =	sadd.s32 @!p0 $0x100000, s1;
	[bflag:$0x2] =	sbarrier.arrive $0xFFFF  }
0x42: {  	[sflag:s0] =	ssyncadd.tile.s32 @!p0 $0x1;
	_ =	shalt  }
.Lfunc_end1:
_tile_overlayer_lowered:
.L_overlay_start_2:
0x43: {  	(tag) =	ssettag $0x2  }
0x44: {  	s0 =	rddreg [dreg:$0x0];
	s2 =	stileid.u32  }
0x45: {  	s1 =	rddreg [dreg:$0x1];
	p0 =	sne.s32 s2, $0x0  }
0x46: {  	s3 =	rddreg [dreg:$0x2];
	[bflag:$0x3] =	sbarrier.arrive $0xFFFF;
	s2 =	simm.s32 @!p0 $0x1C01  }
0x47: {  	[timem:s3], [sflag:s2] =	dma.local @!p0 [hbm:s0], s1  }
0x48: {  	s0 =	simm.s32 @!p0 $0x1  }
0x49: {  	_ =	swait.ge @!p0 [sflag:s0], s1  }
0x4a: {  	s1 =	ssub.s32 @!p0 $0x0, s1;
	[sflag:s0] =	ssyncset.done @!p0 $0x0  }
0x4b: {  	[sflag:s0] =	ssyncadd.s32 @!p0 s1  }
0x4c: {  	[bflag:$0x3] =	sbarrier.arrive $0xFFFF  }
0x4d: {  	_ =	shalt  }

</sc_bundles>
